<compile_context>
chip_gen: v7x
topology: tpu7x:2x2x1
jax: 0.10.2.dev20260603
libtpu: 0.0.44.dev20260713+nightly
codegen_flags: <defaults>
</compile_context>

<pallas_src>
import functools

import jax
import jax.numpy as jnp
from jax import lax
from jax.experimental import pallas as pl
from jax.experimental.pallas import tpu as pltpu
from jax.experimental.pallas import tpu_sc as plsc

NC, NS = 2, 16
NW = NC * NS
RING = 6


def _make_embbag(B, L, V, D):
  BW = B // NW
  mesh = plsc.VectorSubcoreMesh(core_axis_name="c", subcore_axis_name="s")

  @functools.partial(
      pl.kernel,
      out_type=jax.ShapeDtypeStruct((B, D), jnp.float32),
      mesh=mesh,
      scratch_types=[
          pltpu.VMEM((L, BW), jnp.int32),
          pltpu.VMEM((1, BW), jnp.int32),
          pltpu.VMEM((RING, BW, D), jnp.float32),
          pltpu.VMEM_SHARED((NS * BW, D), jnp.float32),
      ] + [pltpu.SemaphoreType.DMA] * (RING + 1),
  )
  def embbag(text_hbm, emb_hbm, out_hbm, idx_v, sidx_v, bufs_v, acc_s, *sems):
    gsems, ssem = sems[:RING], sems[RING]
    cid = lax.axis_index("c")
    sid = lax.axis_index("s")
    wid = sid * NC + cid
    base = wid * BW
    accbase = sid * BW
    pltpu.sync_copy(text_hbm.at[wid], idx_v)
    for c in range(BW // 16):
      sidx_v[0, pl.ds(c * 16, 16)] = (
          lax.iota(jnp.int32, 16) + (accbase + c * 16))

    def start_g(j, slot):
      pltpu.async_copy(emb_hbm.at[idx_v.at[j]], bufs_v.at[slot], gsems[slot])

    def wait_g(slot):
      pltpu.make_async_copy(
          emb_hbm.at[idx_v.at[0]], bufs_v.at[slot], gsems[slot]).wait()

    def scatter_add(slot):
      pltpu.async_copy(
          bufs_v.at[slot], acc_s.at[sidx_v.at[0]], ssem, add=True)
      pltpu.make_async_copy(
          bufs_v.at[slot], acc_s.at[sidx_v.at[0]], ssem).wait()

    for r in range(RING):
      start_g(r, r)

    wait_g(0)
    pltpu.sync_copy(bufs_v.at[0], acc_s.at[pl.ds(accbase, BW)])
    start_g(RING, 0)
    for r in range(1, RING):
      wait_g(r)
      scatter_add(r)
      start_g(RING + r, r)

    def round_body(t, _):
      for r in range(RING):
        wait_g(r)
        scatter_add(r)
        pltpu.async_copy(
            emb_hbm.at[idx_v.at[(t + 1) * RING + r]], bufs_v.at[r], gsems[r])
      return _

    m = L // RING - 1
    tail = L - RING * (m + 1)
    lax.fori_loop(1, m, round_body, None)

    for r in range(RING):
      wait_g(r)
      scatter_add(r)
      if r < tail:
        start_g(RING * (m + 1) + r, r)

    for r in range(tail):
      wait_g(r)
      scatter_add(r)

    pltpu.sync_copy(
        acc_s.at[pl.ds(accbase, BW)], out_hbm.at[pl.ds(base, BW)])

  return embbag


def _mlp_body(x_ref, len_ref, w1a_ref, w1b_ref, b1_ref, w2_ref, b2_ref,
              w3_ref, b3_ref, out_ref, *, inv_l):
  h = jnp.dot(x_ref[...], w1a_ref[...] * inv_l,
              preferred_element_type=jnp.float32)
  h = h + len_ref[...] * w1b_ref[...] + b1_ref[...]
  h = jnp.maximum(h, 0.0)
  h = jnp.dot(h, w2_ref[...], preferred_element_type=jnp.float32) + b2_ref[...]
  h = jnp.maximum(h, 0.0)
  out_ref[...] = (
      jnp.dot(h, w3_ref[...], preferred_element_type=jnp.float32) + b3_ref[...])


def kernel(text, text_len, emb, W1, b1, W2, b2, W3, b3):
  B, L = text.shape
  V, D = emb.shape
  H = W1.shape[0]
  C = W3.shape[0]
  BW = B // NW

  text_r = text.astype(jnp.int32).reshape(NW, BW, L).transpose(0, 2, 1)
  xsum = _make_embbag(B, L, V, D)(text_r, emb)

  lens = text_len.astype(jnp.float32).reshape(B, 1)
  w1a = W1[:, :D].T
  w1b = W1[:, D].reshape(1, H)
  out = pl.pallas_call(
      functools.partial(_mlp_body, inv_l=1.0 / L),
      out_shape=jax.ShapeDtypeStruct((B, C), jnp.float32),
  )(xsum, lens, w1a, w1b, b1.reshape(1, H), W2.T, b2.reshape(1, H),
    W3.T, b3.reshape(1, C))
  return out

# --- scband reference (transcript-rebuilt; emitter-appended) ---
"""Pipeline reference for scband-text-sentiment-13786845020357 (READ-ONLY COPY).

The authoritative reference and input builder live on the scoring server;
editing this copy changes nothing except your own understanding.
"""

import jax, jax.numpy as jnp
import numpy as np

B, L, V, D, H, C = 4096, 50, 100000, 128, 50, 5

def setup_inputs(seed: int = 0) -> dict:
    key = jax.random.key(seed)
    ks = jax.random.split(key, 9)
    text = jax.random.randint(ks[0], (B, L), 0, V, dtype=jnp.int64) if jax.config.jax_enable_x64 else jax.random.randint(ks[0], (B, L), 0, V, dtype=jnp.int32)
    text_len = jax.random.randint(ks[1], (B,), 0, L, dtype=text.dtype)
    emb = jax.random.normal(ks[2], (V, D), dtype=jnp.float32)
    W1 = jax.random.normal(ks[3], (H, D + 1), dtype=jnp.float32) * 0.05
    b1 = jnp.zeros((H,), dtype=jnp.float32)
    W2 = jax.random.normal(ks[4], (H, H), dtype=jnp.float32) * 0.05
    b2 = jnp.zeros((H,), dtype=jnp.float32)
    W3 = jax.random.normal(ks[5], (C, H), dtype=jnp.float32) * 0.05
    b3 = jnp.zeros((C,), dtype=jnp.float32)
    return {"text": text, "text_len": text_len, "emb": emb,
            "W1": W1, "b1": b1, "W2": W2, "b2": b2, "W3": W3, "b3": b3}

def reference(text, text_len, emb, W1, b1, W2, b2, W3, b3):
    # nn.EmbeddingBag with 2D input: mean-pool over dim 1 (default mode='mean')
    gathered = jnp.take(emb, text, axis=0)            # [B, L, D]
    embedded = jnp.mean(gathered, axis=1)             # [B, D]
    embedded = embedded[:, :D]
    lens = text_len.reshape(text_len.shape[0], 1).astype(jnp.float32)
    x = jnp.concatenate([embedded, lens], axis=1)     # [B, D+1]
    h = jax.nn.relu(x @ W1.T + b1)
    h = jax.nn.relu(h @ W2.T + b2)
    return h @ W3.T + b3

if __name__ == "__main__":
    import jax
    _d = setup_inputs()
    print(jax.jit(kernel)(*tuple(_d.values())))

</pallas_src>

<mosaic_0001>
#map = affine_map<(d0, d1) -> (0, 0, 0)>
#map1 = affine_map<(d0, d1) -> (0, 0)>
module attributes {stable_mosaic.version = 14 : i64} {
  func.func @embbag(%arg0: i32, %arg1: i32, %arg2: memref<32x50x128xi32, #tpu.memory_space<hbm>>, %arg3: memref<100000x128xf32, #tpu.memory_space<hbm>>, %arg4: memref<4096x128xf32, #tpu.memory_space<hbm>>, %arg5: memref<50x128xi32, #tpu.memory_space<vmem>>, %arg6: memref<1x128xi32, #tpu.memory_space<vmem>>, %arg7: memref<6x128x128xf32, #tpu.memory_space<vmem>>, %arg8: memref<2048x128xf32, #tpu.memory_space<vmem_shared>>, %arg9: memref<!tpu.dma_semaphore, #tpu.memory_space<semaphore_mem>>, %arg10: memref<!tpu.dma_semaphore, #tpu.memory_space<semaphore_mem>>, %arg11: memref<!tpu.dma_semaphore, #tpu.memory_space<semaphore_mem>>, %arg12: memref<!tpu.dma_semaphore, #tpu.memory_space<semaphore_mem>>, %arg13: memref<!tpu.dma_semaphore, #tpu.memory_space<semaphore_mem>>, %arg14: memref<!tpu.dma_semaphore, #tpu.memory_space<semaphore_mem>>, %arg15: memref<!tpu.dma_semaphore, #tpu.memory_space<semaphore_mem>>) attributes {dimension_semantics = [#tpu.dimension_semantics<core_parallel>, #tpu.dimension_semantics<subcore_parallel>], iteration_bounds = array<i64: 2, 16>, scalar_prefetch = 0 : i64, scratch_operands = 11 : i64, tpu.core_type = #tpu.core_type<sc_vector_subcore>, window_params = [{transform_indices = #map}, {transform_indices = #map1}, {transform_indices = #map1}]} {
    %mul3A = arith.constant 2 : i32
    %mul3A_0 = arith.muli %arg1, %mul3A : i32
    %add3A = arith.addi %mul3A_0, %arg0 : i32
    %mul3A_1 = arith.constant 128 : i32
    %mul3A_2 = arith.muli %add3A, %mul3A_1 : i32
    %mul3A_3 = arith.constant 128 : i32
    %mul3A_4 = arith.muli %arg1, %mul3A_3 : i32
    "tpu.region"() ({
      %run_scoped3A_741 = tpu.sem_alloc : memref<!tpu.dma_semaphore, #tpu.memory_space<semaphore_mem>>
      %dma_start3A_742 = arith.constant 0 : i32
      %dma_start3A_743 = arith.constant 0 : i32
      %dma_start3A_744 = tpu.memref_slice %arg2[%add3A, %dma_start3A_742, %dma_start3A_743] : memref<32x50x128xi32, #tpu.memory_space<hbm>> -> memref<1x50x128xi32, #tpu.memory_space<hbm>>
      %dma_start3A_745 = tpu.memref_squeeze %dma_start3A_744 : memref<1x50x128xi32, #tpu.memory_space<hbm>> -> memref<50x128xi32, #tpu.memory_space<hbm>>
      %dma_start3A_746 = arith.constant 0 : i32
      %dma_start3A_747 = arith.constant 0 : i32
      %dma_start3A_748 = tpu.memref_slice %arg2[%add3A, %dma_start3A_746, %dma_start3A_747] : memref<32x50x128xi32, #tpu.memory_space<hbm>> -> memref<1x50x128xi32, #tpu.memory_space<hbm>>
      %dma_start3A_749 = tpu.memref_squeeze %dma_start3A_748 : memref<1x50x128xi32, #tpu.memory_space<hbm>> -> memref<50x128xi32, #tpu.memory_space<hbm>>
      tpu.enqueue_dma source(%dma_start3A_749 : memref<50x128xi32, #tpu.memory_space<hbm>>) target(%arg5 : memref<50x128xi32, #tpu.memory_space<vmem>>) target_semaphore(%run_scoped3A_741 : memref<!tpu.dma_semaphore, #tpu.memory_space<semaphore_mem>>)
      %dma_wait3A_750 = arith.constant 0 : i32
      %dma_wait3A_751 = arith.constant 0 : i32
      %dma_wait3A_752 = tpu.memref_slice %arg2[%add3A, %dma_wait3A_750, %dma_wait3A_751] : memref<32x50x128xi32, #tpu.memory_space<hbm>> -> memref<1x50x128xi32, #tpu.memory_space<hbm>>
      %dma_wait3A_753 = tpu.memref_squeeze %dma_wait3A_752 : memref<1x50x128xi32, #tpu.memory_space<hbm>> -> memref<50x128xi32, #tpu.memory_space<hbm>>
      %dma_wait3A_754 = arith.constant 0 : i32
      %dma_wait3A_755 = arith.constant 0 : i32
      %dma_wait3A_756 = tpu.memref_slice %arg2[%add3A, %dma_wait3A_754, %dma_wait3A_755] : memref<32x50x128xi32, #tpu.memory_space<hbm>> -> memref<1x50x128xi32, #tpu.memory_space<hbm>>
      %dma_wait3A_757 = tpu.memref_squeeze %dma_wait3A_756 : memref<1x50x128xi32, #tpu.memory_space<hbm>> -> memref<50x128xi32, #tpu.memory_space<hbm>>
      tpu.wait_dma2 semaphore(%run_scoped3A_741 : memref<!tpu.dma_semaphore, #tpu.memory_space<semaphore_mem>>) src(%dma_wait3A_757 : memref<50x128xi32, #tpu.memory_space<hbm>>) dst(%arg5 : memref<50x128xi32, #tpu.memory_space<vmem>>)
      tpu.yield
    }) : () -> ()
    %iota3A = tpu.iota {dimensions = array<i32: 0>} : vector<16xi32>
    %add3A_5 = arith.constant 0 : i32
    %add3A_6 = arith.addi %mul3A_4, %add3A_5 : i32
    %add3A_7 = vector.broadcast %add3A_6 : i32 to vector<16xi32>
    %add3A_8 = arith.addi %iota3A, %add3A_7 : vector<16xi32>
    %swap3A = arith.constant 0 : i32
    %swap3A_9 = arith.index_cast %swap3A : i32 to index
    %swap3A_10 = arith.constant 0 : index
    %swap3A_11 = tpu.vector_load %arg6[%swap3A_9, %swap3A_10] {strides = array<i32>} : memref<1x128xi32, #tpu.memory_space<vmem>>, vector<1x16xi32>,
    %swap3A_12 = vector.shape_cast %swap3A_11 : vector<1x16xi32> to vector<16xi32>
    %swap3A_13 = vector.shape_cast %add3A_8 : vector<16xi32> to vector<1x16xi32>
    tpu.vector_store %arg6[%swap3A_9, %swap3A_10], %swap3A_13 {strides = array<i32>} : memref<1x128xi32, #tpu.memory_space<vmem>>, vector<1x16xi32>,
    %iota3A_14 = tpu.iota {dimensions = array<i32: 0>} : vector<16xi32>
    %add3A_15 = arith.constant 16 : i32
    %add3A_16 = arith.addi %mul3A_4, %add3A_15 : i32
    %add3A_17 = vector.broadcast %add3A_16 : i32 to vector<16xi32>
    %add3A_18 = arith.addi %iota3A_14, %add3A_17 : vector<16xi32>
    %swap3A_19 = arith.constant 0 : i32
    %swap3A_20 = arith.index_cast %swap3A_19 : i32 to index
    %swap3A_21 = arith.constant 16 : index
    %swap3A_22 = tpu.vector_load %arg6[%swap3A_20, %swap3A_21] {strides = array<i32>} : memref<1x128xi32, #tpu.memory_space<vmem>>, vector<1x16xi32>,
    %swap3A_23 = vector.shape_cast %swap3A_22 : vector<1x16xi32> to vector<16xi32>
    %swap3A_24 = vector.shape_cast %add3A_18 : vector<16xi32> to vector<1x16xi32>
    tpu.vector_store %arg6[%swap3A_20, %swap3A_21], %swap3A_24 {strides = array<i32>} : memref<1x128xi32, #tpu.memory_space<vmem>>, vector<1x16xi32>,
    %iota3A_25 = tpu.iota {dimensions = array<i32: 0>} : vector<16xi32>
    %add3A_26 = arith.constant 32 : i32
    %add3A_27 = arith.addi %mul3A_4, %add3A_26 : i32
    %add3A_28 = vector.broadcast %add3A_27 : i32 to vector<16xi32>
    %add3A_29 = arith.addi %iota3A_25, %add3A_28 : vector<16xi32>
    %swap3A_30 = arith.constant 0 : i32
    %swap3A_31 = arith.index_cast %swap3A_30 : i32 to index
    %swap3A_32 = arith.constant 32 : index
    %swap3A_33 = tpu.vector_load %arg6[%swap3A_31, %swap3A_32] {strides = array<i32>} : memref<1x128xi32, #tpu.memory_space<vmem>>, vector<1x16xi32>,
    %swap3A_34 = vector.shape_cast %swap3A_33 : vector<1x16xi32> to vector<16xi32>
    %swap3A_35 = vector.shape_cast %add3A_29 : vector<16xi32> to vector<1x16xi32>
    tpu.vector_store %arg6[%swap3A_31, %swap3A_32], %swap3A_35 {strides = array<i32>} : memref<1x128xi32, #tpu.memory_space<vmem>>, vector<1x16xi32>,
    %iota3A_36 = tpu.iota {dimensions = array<i32: 0>} : vector<16xi32>
    %add3A_37 = arith.constant 48 : i32
    %add3A_38 = arith.addi %mul3A_4, %add3A_37 : i32
    %add3A_39 = vector.broadcast %add3A_38 : i32 to vector<16xi32>
    %add3A_40 = arith.addi %iota3A_36, %add3A_39 : vector<16xi32>
    %swap3A_41 = arith.constant 0 : i32
    %swap3A_42 = arith.index_cast %swap3A_41 : i32 to index
    %swap3A_43 = arith.constant 48 : index
    %swap3A_44 = tpu.vector_load %arg6[%swap3A_42, %swap3A_43] {strides = array<i32>} : memref<1x128xi32, #tpu.memory_space<vmem>>, vector<1x16xi32>,
    %swap3A_45 = vector.shape_cast %swap3A_44 : vector<1x16xi32> to vector<16xi32>
    %swap3A_46 = vector.shape_cast %add3A_40 : vector<16xi32> to vector<1x16xi32>
    tpu.vector_store %arg6[%swap3A_42, %swap3A_43], %swap3A_46 {strides = array<i32>} : memref<1x128xi32, #tpu.memory_space<vmem>>, vector<1x16xi32>,
    %iota3A_47 = tpu.iota {dimensions = array<i32: 0>} : vector<16xi32>
    %add3A_48 = arith.constant 64 : i32
    %add3A_49 = arith.addi %mul3A_4, %add3A_48 : i32
    %add3A_50 = vector.broadcast %add3A_49 : i32 to vector<16xi32>
    %add3A_51 = arith.addi %iota3A_47, %add3A_50 : vector<16xi32>
    %swap3A_52 = arith.constant 0 : i32
    %swap3A_53 = arith.index_cast %swap3A_52 : i32 to index
    %swap3A_54 = arith.constant 64 : index
    %swap3A_55 = tpu.vector_load %arg6[%swap3A_53, %swap3A_54] {strides = array<i32>} : memref<1x128xi32, #tpu.memory_space<vmem>>, vector<1x16xi32>,
    %swap3A_56 = vector.shape_cast %swap3A_55 : vector<1x16xi32> to vector<16xi32>
    %swap3A_57 = vector.shape_cast %add3A_51 : vector<16xi32> to vector<1x16xi32>
    tpu.vector_store %arg6[%swap3A_53, %swap3A_54], %swap3A_57 {strides = array<i32>} : memref<1x128xi32, #tpu.memory_space<vmem>>, vector<1x16xi32>,
    %iota3A_58 = tpu.iota {dimensions = array<i32: 0>} : vector<16xi32>
    %add3A_59 = arith.constant 80 : i32
    %add3A_60 = arith.addi %mul3A_4, %add3A_59 : i32
    %add3A_61 = vector.broadcast %add3A_60 : i32 to vector<16xi32>
    %add3A_62 = arith.addi %iota3A_58, %add3A_61 : vector<16xi32>
    %swap3A_63 = arith.constant 0 : i32
    %swap3A_64 = arith.index_cast %swap3A_63 : i32 to index
    %swap3A_65 = arith.constant 80 : index
    %swap3A_66 = tpu.vector_load %arg6[%swap3A_64, %swap3A_65] {strides = array<i32>} : memref<1x128xi32, #tpu.memory_space<vmem>>, vector<1x16xi32>,
    %swap3A_67 = vector.shape_cast %swap3A_66 : vector<1x16xi32> to vector<16xi32>
    %swap3A_68 = vector.shape_cast %add3A_62 : vector<16xi32> to vector<1x16xi32>
    tpu.vector_store %arg6[%swap3A_64, %swap3A_65], %swap3A_68 {strides = array<i32>} : memref<1x128xi32, #tpu.memory_space<vmem>>, vector<1x16xi32>,
    %iota3A_69 = tpu.iota {dimensions = array<i32: 0>} : vector<16xi32>
    %add3A_70 = arith.constant 96 : i32
    %add3A_71 = arith.addi %mul3A_4, %add3A_70 : i32
    %add3A_72 = vector.broadcast %add3A_71 : i32 to vector<16xi32>
    %add3A_73 = arith.addi %iota3A_69, %add3A_72 : vector<16xi32>
    %swap3A_74 = arith.constant 0 : i32
    %swap3A_75 = arith.index_cast %swap3A_74 : i32 to index
    %swap3A_76 = arith.constant 96 : index
    %swap3A_77 = tpu.vector_load %arg6[%swap3A_75, %swap3A_76] {strides = array<i32>} : memref<1x128xi32, #tpu.memory_space<vmem>>, vector<1x16xi32>,
    %swap3A_78 = vector.shape_cast %swap3A_77 : vector<1x16xi32> to vector<16xi32>
    %swap3A_79 = vector.shape_cast %add3A_73 : vector<16xi32> to vector<1x16xi32>
    tpu.vector_store %arg6[%swap3A_75, %swap3A_76], %swap3A_79 {strides = array<i32>} : memref<1x128xi32, #tpu.memory_space<vmem>>, vector<1x16xi32>,
    %iota3A_80 = tpu.iota {dimensions = array<i32: 0>} : vector<16xi32>
    %add3A_81 = arith.constant 112 : i32
    %add3A_82 = arith.addi %mul3A_4, %add3A_81 : i32
    %add3A_83 = vector.broadcast %add3A_82 : i32 to vector<16xi32>
    %add3A_84 = arith.addi %iota3A_80, %add3A_83 : vector<16xi32>
    %swap3A_85 = arith.constant 0 : i32
    %swap3A_86 = arith.index_cast %swap3A_85 : i32 to index
    %swap3A_87 = arith.constant 112 : index
    %swap3A_88 = tpu.vector_load %arg6[%swap3A_86, %swap3A_87] {strides = array<i32>} : memref<1x128xi32, #tpu.memory_space<vmem>>, vector<1x16xi32>,
    %swap3A_89 = vector.shape_cast %swap3A_88 : vector<1x16xi32> to vector<16xi32>
    %swap3A_90 = vector.shape_cast %add3A_84 : vector<16xi32> to vector<1x16xi32>
    tpu.vector_store %arg6[%swap3A_86, %swap3A_87], %swap3A_90 {strides = array<i32>} : memref<1x128xi32, #tpu.memory_space<vmem>>, vector<1x16xi32>,
    %dma_start3A = arith.constant 0 : i32
    %dma_start3A_91 = arith.constant 0 : i32
    %dma_start3A_92 = arith.constant 0 : i32
    %dma_start3A_93 = arith.constant 0 : i32
    %dma_start3A_94 = tpu.memref_slice %arg7[%dma_start3A_91, %dma_start3A_92, %dma_start3A_93] : memref<6x128x128xf32, #tpu.memory_space<vmem>> -> memref<1x128x128xf32, #tpu.memory_space<vmem>>
    %dma_start3A_95 = tpu.memref_squeeze %dma_start3A_94 : memref<1x128x128xf32, #tpu.memory_space<vmem>> -> memref<128x128xf32, #tpu.memory_space<vmem>>
    %dma_start3A_96 = arith.constant 0 : i32
    %dma_start3A_97 = tpu.memref_slice %arg5[%dma_start3A, %dma_start3A_96] : memref<50x128xi32, #tpu.memory_space<vmem>> -> memref<1x128xi32, #tpu.memory_space<vmem>>
    %dma_start3A_98 = tpu.memref_squeeze %dma_start3A_97 : memref<1x128xi32, #tpu.memory_space<vmem>> -> memref<128xi32, #tpu.memory_space<vmem>>
    %dma_start3A_99 = arith.constant 0 : i32
    %dma_start3A_100 = arith.constant 0 : i32
    %dma_start3A_101 = tpu.memref_slice %arg3[%dma_start3A_99, %dma_start3A_100] : memref<100000x128xf32, #tpu.memory_space<hbm>> -> memref<100000x128xf32, #tpu.memory_space<hbm>>
    tpu.enqueue_indirect_dma source(%dma_start3A_101 : memref<100000x128xf32, #tpu.memory_space<hbm>>) target(%dma_start3A_95 : memref<128x128xf32, #tpu.memory_space<vmem>>) offsets(%dma_start3A_98 : memref<128xi32, #tpu.memory_space<vmem>>) semaphore(%arg9 : memref<!tpu.dma_semaphore, #tpu.memory_space<semaphore_mem>>)
    %dma_start3A_102 = arith.constant 1 : i32
    %dma_start3A_103 = arith.constant 1 : i32
    %dma_start3A_104 = arith.constant 0 : i32
    %dma_start3A_105 = arith.constant 0 : i32
    %dma_start3A_106 = tpu.memref_slice %arg7[%dma_start3A_103, %dma_start3A_104, %dma_start3A_105] : memref<6x128x128xf32, #tpu.memory_space<vmem>> -> memref<1x128x128xf32, #tpu.memory_space<vmem>>
    %dma_start3A_107 = tpu.memref_squeeze %dma_start3A_106 : memref<1x128x128xf32, #tpu.memory_space<vmem>> -> memref<128x128xf32, #tpu.memory_space<vmem>>
    %dma_start3A_108 = arith.constant 0 : i32
    %dma_start3A_109 = tpu.memref_slice %arg5[%dma_start3A_102, %dma_start3A_108] : memref<50x128xi32, #tpu.memory_space<vmem>> -> memref<1x128xi32, #tpu.memory_space<vmem>>
    %dma_start3A_110 = tpu.memref_squeeze %dma_start3A_109 : memref<1x128xi32, #tpu.memory_space<vmem>> -> memref<128xi32, #tpu.memory_space<vmem>>
    %dma_start3A_111 = arith.constant 0 : i32
    %dma_start3A_112 = arith.constant 0 : i32
    %dma_start3A_113 = tpu.memref_slice %arg3[%dma_start3A_111, %dma_start3A_112] : memref<100000x128xf32, #tpu.memory_space<hbm>> -> memref<100000x128xf32, #tpu.memory_space<hbm>>
    tpu.enqueue_indirect_dma source(%dma_start3A_113 : memref<100000x128xf32, #tpu.memory_space<hbm>>) target(%dma_start3A_107 : memref<128x128xf32, #tpu.memory_space<vmem>>) offsets(%dma_start3A_110 : memref<128xi32, #tpu.memory_space<vmem>>) semaphore(%arg10 : memref<!tpu.dma_semaphore, #tpu.memory_space<semaphore_mem>>)
    %dma_start3A_114 = arith.constant 2 : i32
    %dma_start3A_115 = arith.constant 2 : i32
    %dma_start3A_116 = arith.constant 0 : i32
    %dma_start3A_117 = arith.constant 0 : i32
    %dma_start3A_118 = tpu.memref_slice %arg7[%dma_start3A_115, %dma_start3A_116, %dma_start3A_117] : memref<6x128x128xf32, #tpu.memory_space<vmem>> -> memref<1x128x128xf32, #tpu.memory_space<vmem>>
    %dma_start3A_119 = tpu.memref_squeeze %dma_start3A_118 : memref<1x128x128xf32, #tpu.memory_space<vmem>> -> memref<128x128xf32, #tpu.memory_space<vmem>>
    %dma_start3A_120 = arith.constant 0 : i32
    %dma_start3A_121 = tpu.memref_slice %arg5[%dma_start3A_114, %dma_start3A_120] : memref<50x128xi32, #tpu.memory_space<vmem>> -> memref<1x128xi32, #tpu.memory_space<vmem>>
    %dma_start3A_122 = tpu.memref_squeeze %dma_start3A_121 : memref<1x128xi32, #tpu.memory_space<vmem>> -> memref<128xi32, #tpu.memory_space<vmem>>
    %dma_start3A_123 = arith.constant 0 : i32
    %dma_start3A_124 = arith.constant 0 : i32
    %dma_start3A_125 = tpu.memref_slice %arg3[%dma_start3A_123, %dma_start3A_124] : memref<100000x128xf32, #tpu.memory_space<hbm>> -> memref<100000x128xf32, #tpu.memory_space<hbm>>
    tpu.enqueue_indirect_dma source(%dma_start3A_125 : memref<100000x128xf32, #tpu.memory_space<hbm>>) target(%dma_start3A_119 : memref<128x128xf32, #tpu.memory_space<vmem>>) offsets(%dma_start3A_122 : memref<128xi32, #tpu.memory_space<vmem>>) semaphore(%arg11 : memref<!tpu.dma_semaphore, #tpu.memory_space<semaphore_mem>>)
    %dma_start3A_126 = arith.constant 3 : i32
    %dma_start3A_127 = arith.constant 3 : i32
    %dma_start3A_128 = arith.constant 0 : i32
    %dma_start3A_129 = arith.constant 0 : i32
    %dma_start3A_130 = tpu.memref_slice %arg7[%dma_start3A_127, %dma_start3A_128, %dma_start3A_129] : memref<6x128x128xf32, #tpu.memory_space<vmem>> -> memref<1x128x128xf32, #tpu.memory_space<vmem>>
    %dma_start3A_131 = tpu.memref_squeeze %dma_start3A_130 : memref<1x128x128xf32, #tpu.memory_space<vmem>> -> memref<128x128xf32, #tpu.memory_space<vmem>>
    %dma_start3A_132 = arith.constant 0 : i32
    %dma_start3A_133 = tpu.memref_slice %arg5[%dma_start3A_126, %dma_start3A_132] : memref<50x128xi32, #tpu.memory_space<vmem>> -> memref<1x128xi32, #tpu.memory_space<vmem>>
    %dma_start3A_134 = tpu.memref_squeeze %dma_start3A_133 : memref<1x128xi32, #tpu.memory_space<vmem>> -> memref<128xi32, #tpu.memory_space<vmem>>
    %dma_start3A_135 = arith.constant 0 : i32
    %dma_start3A_136 = arith.constant 0 : i32
    %dma_start3A_137 = tpu.memref_slice %arg3[%dma_start3A_135, %dma_start3A_136] : memref<100000x128xf32, #tpu.memory_space<hbm>> -> memref<100000x128xf32, #tpu.memory_space<hbm>>
    tpu.enqueue_indirect_dma source(%dma_start3A_137 : memref<100000x128xf32, #tpu.memory_space<hbm>>) target(%dma_start3A_131 : memref<128x128xf32, #tpu.memory_space<vmem>>) offsets(%dma_start3A_134 : memref<128xi32, #tpu.memory_space<vmem>>) semaphore(%arg12 : memref<!tpu.dma_semaphore, #tpu.memory_space<semaphore_mem>>)
    %dma_start3A_138 = arith.constant 4 : i32
    %dma_start3A_139 = arith.constant 4 : i32
    %dma_start3A_140 = arith.constant 0 : i32
    %dma_start3A_141 = arith.constant 0 : i32
    %dma_start3A_142 = tpu.memref_slice %arg7[%dma_start3A_139, %dma_start3A_140, %dma_start3A_141] : memref<6x128x128xf32, #tpu.memory_space<vmem>> -> memref<1x128x128xf32, #tpu.memory_space<vmem>>
    %dma_start3A_143 = tpu.memref_squeeze %dma_start3A_142 : memref<1x128x128xf32, #tpu.memory_space<vmem>> -> memref<128x128xf32, #tpu.memory_space<vmem>>
    %dma_start3A_144 = arith.constant 0 : i32
    %dma_start3A_145 = tpu.memref_slice %arg5[%dma_start3A_138, %dma_start3A_144] : memref<50x128xi32, #tpu.memory_space<vmem>> -> memref<1x128xi32, #tpu.memory_space<vmem>>
    %dma_start3A_146 = tpu.memref_squeeze %dma_start3A_145 : memref<1x128xi32, #tpu.memory_space<vmem>> -> memref<128xi32, #tpu.memory_space<vmem>>
    %dma_start3A_147 = arith.constant 0 : i32
    %dma_start3A_148 = arith.constant 0 : i32
    %dma_start3A_149 = tpu.memref_slice %arg3[%dma_start3A_147, %dma_start3A_148] : memref<100000x128xf32, #tpu.memory_space<hbm>> -> memref<100000x128xf32, #tpu.memory_space<hbm>>
    tpu.enqueue_indirect_dma source(%dma_start3A_149 : memref<100000x128xf32, #tpu.memory_space<hbm>>) target(%dma_start3A_143 : memref<128x128xf32, #tpu.memory_space<vmem>>) offsets(%dma_start3A_146 : memref<128xi32, #tpu.memory_space<vmem>>) semaphore(%arg13 : memref<!tpu.dma_semaphore, #tpu.memory_space<semaphore_mem>>)
    %dma_start3A_150 = arith.constant 5 : i32
    %dma_start3A_151 = arith.constant 5 : i32
    %dma_start3A_152 = arith.constant 0 : i32
    %dma_start3A_153 = arith.constant 0 : i32
    %dma_start3A_154 = tpu.memref_slice %arg7[%dma_start3A_151, %dma_start3A_152, %dma_start3A_153] : memref<6x128x128xf32, #tpu.memory_space<vmem>> -> memref<1x128x128xf32, #tpu.memory_space<vmem>>
    %dma_start3A_155 = tpu.memref_squeeze %dma_start3A_154 : memref<1x128x128xf32, #tpu.memory_space<vmem>> -> memref<128x128xf32, #tpu.memory_space<vmem>>
    %dma_start3A_156 = arith.constant 0 : i32
    %dma_start3A_157 = tpu.memref_slice %arg5[%dma_start3A_150, %dma_start3A_156] : memref<50x128xi32, #tpu.memory_space<vmem>> -> memref<1x128xi32, #tpu.memory_space<vmem>>
    %dma_start3A_158 = tpu.memref_squeeze %dma_start3A_157 : memref<1x128xi32, #tpu.memory_space<vmem>> -> memref<128xi32, #tpu.memory_space<vmem>>
    %dma_start3A_159 = arith.constant 0 : i32
    %dma_start3A_160 = arith.constant 0 : i32
    %dma_start3A_161 = tpu.memref_slice %arg3[%dma_start3A_159, %dma_start3A_160] : memref<100000x128xf32, #tpu.memory_space<hbm>> -> memref<100000x128xf32, #tpu.memory_space<hbm>>
    tpu.enqueue_indirect_dma source(%dma_start3A_161 : memref<100000x128xf32, #tpu.memory_space<hbm>>) target(%dma_start3A_155 : memref<128x128xf32, #tpu.memory_space<vmem>>) offsets(%dma_start3A_158 : memref<128xi32, #tpu.memory_space<vmem>>) semaphore(%arg14 : memref<!tpu.dma_semaphore, #tpu.memory_space<semaphore_mem>>)
    %dma_wait3A = arith.constant 0 : i32
    %dma_wait3A_162 = arith.constant 0 : i32
    %dma_wait3A_163 = arith.constant 0 : i32
    %dma_wait3A_164 = arith.constant 0 : i32
    %dma_wait3A_165 = tpu.memref_slice %arg7[%dma_wait3A_162, %dma_wait3A_163, %dma_wait3A_164] : memref<6x128x128xf32, #tpu.memory_space<vmem>> -> memref<1x128x128xf32, #tpu.memory_space<vmem>>
    %dma_wait3A_166 = tpu.memref_squeeze %dma_wait3A_165 : memref<1x128x128xf32, #tpu.memory_space<vmem>> -> memref<128x128xf32, #tpu.memory_space<vmem>>
    %dma_wait3A_167 = arith.constant 0 : i32
    %dma_wait3A_168 = tpu.memref_slice %arg5[%dma_wait3A, %dma_wait3A_167] : memref<50x128xi32, #tpu.memory_space<vmem>> -> memref<1x128xi32, #tpu.memory_space<vmem>>
    %dma_wait3A_169 = tpu.memref_squeeze %dma_wait3A_168 : memref<1x128xi32, #tpu.memory_space<vmem>> -> memref<128xi32, #tpu.memory_space<vmem>>
    %dma_wait3A_170 = arith.constant 0 : i32
    %dma_wait3A_171 = arith.constant 0 : i32
    %dma_wait3A_172 = tpu.memref_slice %arg3[%dma_wait3A_170, %dma_wait3A_171] : memref<100000x128xf32, #tpu.memory_space<hbm>> -> memref<100000x128xf32, #tpu.memory_space<hbm>>
    tpu.wait_indirect_dma semaphore(%arg9 : memref<!tpu.dma_semaphore, #tpu.memory_space<semaphore_mem>>) src(%dma_wait3A_172 : memref<100000x128xf32, #tpu.memory_space<hbm>>) dst(%dma_wait3A_166 : memref<128x128xf32, #tpu.memory_space<vmem>>)
    %run_scoped3A = arith.constant 0 : i32
    "tpu.region"() ({
      %run_scoped3A_741 = tpu.sem_alloc : memref<!tpu.dma_semaphore, #tpu.memory_space<semaphore_mem>>
      %dma_start3A_742 = arith.constant 0 : i32
      %dma_start3A_743 = arith.constant 0 : i32
      %dma_start3A_744 = tpu.memref_slice %arg7[%run_scoped3A, %dma_start3A_742, %dma_start3A_743] : memref<6x128x128xf32, #tpu.memory_space<vmem>> -> memref<1x128x128xf32, #tpu.memory_space<vmem>>
      %dma_start3A_745 = tpu.memref_squeeze %dma_start3A_744 : memref<1x128x128xf32, #tpu.memory_space<vmem>> -> memref<128x128xf32, #tpu.memory_space<vmem>>
      %dma_start3A_746 = arith.constant 0 : i32
      %dma_start3A_747 = tpu.memref_slice %arg8[%mul3A_4, %dma_start3A_746] : memref<2048x128xf32, #tpu.memory_space<vmem_shared>> -> memref<128x128xf32, #tpu.memory_space<vmem_shared>>
      %dma_start3A_748 = arith.constant 0 : i32
      %dma_start3A_749 = tpu.memref_slice %arg8[%mul3A_4, %dma_start3A_748] : memref<2048x128xf32, #tpu.memory_space<vmem_shared>> -> memref<128x128xf32, #tpu.memory_space<vmem_shared>>
      %dma_start3A_750 = arith.constant 0 : i32
      %dma_start3A_751 = arith.constant 0 : i32
      %dma_start3A_752 = tpu.memref_slice %arg7[%run_scoped3A, %dma_start3A_750, %dma_start3A_751] : memref<6x128x128xf32, #tpu.memory_space<vmem>> -> memref<1x128x128xf32, #tpu.memory_space<vmem>>
      %dma_start3A_753 = tpu.memref_squeeze %dma_start3A_752 : memref<1x128x128xf32, #tpu.memory_space<vmem>> -> memref<128x128xf32, #tpu.memory_space<vmem>>
      tpu.enqueue_dma source(%dma_start3A_753 : memref<128x128xf32, #tpu.memory_space<vmem>>) target(%dma_start3A_749 : memref<128x128xf32, #tpu.memory_space<vmem_shared>>) target_semaphore(%run_scoped3A_741 : memref<!tpu.dma_semaphore, #tpu.memory_space<semaphore_mem>>)
      %dma_wait3A_754 = arith.constant 0 : i32
      %dma_wait3A_755 = arith.constant 0 : i32
      %dma_wait3A_756 = tpu.memref_slice %arg7[%run_scoped3A, %dma_wait3A_754, %dma_wait3A_755] : memref<6x128x128xf32, #tpu.memory_space<vmem>> -> memref<1x128x128xf32, #tpu.memory_space<vmem>>
      %dma_wait3A_757 = tpu.memref_squeeze %dma_wait3A_756 : memref<1x128x128xf32, #tpu.memory_space<vmem>> -> memref<128x128xf32, #tpu.memory_space<vmem>>
      %dma_wait3A_758 = arith.constant 0 : i32
      %dma_wait3A_759 = tpu.memref_slice %arg8[%mul3A_4, %dma_wait3A_758] : memref<2048x128xf32, #tpu.memory_space<vmem_shared>> -> memref<128x128xf32, #tpu.memory_space<vmem_shared>>
      %dma_wait3A_760 = arith.constant 0 : i32
      %dma_wait3A_761 = tpu.memref_slice %arg8[%mul3A_4, %dma_wait3A_760] : memref<2048x128xf32, #tpu.memory_space<vmem_shared>> -> memref<128x128xf32, #tpu.memory_space<vmem_shared>>
      %dma_wait3A_762 = arith.constant 0 : i32
      %dma_wait3A_763 = arith.constant 0 : i32
      %dma_wait3A_764 = tpu.memref_slice %arg7[%run_scoped3A, %dma_wait3A_762, %dma_wait3A_763] : memref<6x128x128xf32, #tpu.memory_space<vmem>> -> memref<1x128x128xf32, #tpu.memory_space<vmem>>
      %dma_wait3A_765 = tpu.memref_squeeze %dma_wait3A_764 : memref<1x128x128xf32, #tpu.memory_space<vmem>> -> memref<128x128xf32, #tpu.memory_space<vmem>>
      tpu.wait_dma2 semaphore(%run_scoped3A_741 : memref<!tpu.dma_semaphore, #tpu.memory_space<semaphore_mem>>) src(%dma_wait3A_765 : memref<128x128xf32, #tpu.memory_space<vmem>>) dst(%dma_wait3A_761 : memref<128x128xf32, #tpu.memory_space<vmem_shared>>)
      tpu.yield
    }) : () -> ()
    %dma_start3A_173 = arith.constant 6 : i32
    %dma_start3A_174 = arith.constant 0 : i32
    %dma_start3A_175 = arith.constant 0 : i32
    %dma_start3A_176 = arith.constant 0 : i32
    %dma_start3A_177 = tpu.memref_slice %arg7[%dma_start3A_174, %dma_start3A_175, %dma_start3A_176] : memref<6x128x128xf32, #tpu.memory_space<vmem>> -> memref<1x128x128xf32, #tpu.memory_space<vmem>>
    %dma_start3A_178 = tpu.memref_squeeze %dma_start3A_177 : memref<1x128x128xf32, #tpu.memory_space<vmem>> -> memref<128x128xf32, #tpu.memory_space<vmem>>
    %dma_start3A_179 = arith.constant 0 : i32
    %dma_start3A_180 = tpu.memref_slice %arg5[%dma_start3A_173, %dma_start3A_179] : memref<50x128xi32, #tpu.memory_space<vmem>> -> memref<1x128xi32, #tpu.memory_space<vmem>>
    %dma_start3A_181 = tpu.memref_squeeze %dma_start3A_180 : memref<1x128xi32, #tpu.memory_space<vmem>> -> memref<128xi32, #tpu.memory_space<vmem>>
    %dma_start3A_182 = arith.constant 0 : i32
    %dma_start3A_183 = arith.constant 0 : i32
    %dma_start3A_184 = tpu.memref_slice %arg3[%dma_start3A_182, %dma_start3A_183] : memref<100000x128xf32, #tpu.memory_space<hbm>> -> memref<100000x128xf32, #tpu.memory_space<hbm>>
    tpu.enqueue_indirect_dma source(%dma_start3A_184 : memref<100000x128xf32, #tpu.memory_space<hbm>>) target(%dma_start3A_178 : memref<128x128xf32, #tpu.memory_space<vmem>>) offsets(%dma_start3A_181 : memref<128xi32, #tpu.memory_space<vmem>>) semaphore(%arg9 : memref<!tpu.dma_semaphore, #tpu.memory_space<semaphore_mem>>)
    %dma_wait3A_185 = arith.constant 0 : i32
    %dma_wait3A_186 = arith.constant 1 : i32
    %dma_wait3A_187 = arith.constant 0 : i32
    %dma_wait3A_188 = arith.constant 0 : i32
    %dma_wait3A_189 = tpu.memref_slice %arg7[%dma_wait3A_186, %dma_wait3A_187, %dma_wait3A_188] : memref<6x128x128xf32, #tpu.memory_space<vmem>> -> memref<1x128x128xf32, #tpu.memory_space<vmem>>
    %dma_wait3A_190 = tpu.memref_squeeze %dma_wait3A_189 : memref<1x128x128xf32, #tpu.memory_space<vmem>> -> memref<128x128xf32, #tpu.memory_space<vmem>>
    %dma_wait3A_191 = arith.constant 0 : i32
    %dma_wait3A_192 = tpu.memref_slice %arg5[%dma_wait3A_185, %dma_wait3A_191] : memref<50x128xi32, #tpu.memory_space<vmem>> -> memref<1x128xi32, #tpu.memory_space<vmem>>
    %dma_wait3A_193 = tpu.memref_squeeze %dma_wait3A_192 : memref<1x128xi32, #tpu.memory_space<vmem>> -> memref<128xi32, #tpu.memory_space<vmem>>
    %dma_wait3A_194 = arith.constant 0 : i32
    %dma_wait3A_195 = arith.constant 0 : i32
    %dma_wait3A_196 = tpu.memref_slice %arg3[%dma_wait3A_194, %dma_wait3A_195] : memref<100000x128xf32, #tpu.memory_space<hbm>> -> memref<100000x128xf32, #tpu.memory_space<hbm>>
    tpu.wait_indirect_dma semaphore(%arg10 : memref<!tpu.dma_semaphore, #tpu.memory_space<semaphore_mem>>) src(%dma_wait3A_196 : memref<100000x128xf32, #tpu.memory_space<hbm>>) dst(%dma_wait3A_190 : memref<128x128xf32, #tpu.memory_space<vmem>>)
    %dma_start3A_197 = arith.constant 1 : i32
    %dma_start3A_198 = arith.constant 0 : i32
    %dma_start3A_199 = arith.constant 0 : i32
    %dma_start3A_200 = arith.constant 0 : i32
    %dma_start3A_201 = tpu.memref_slice %arg7[%dma_start3A_197, %dma_start3A_199, %dma_start3A_200] : memref<6x128x128xf32, #tpu.memory_space<vmem>> -> memref<1x128x128xf32, #tpu.memory_space<vmem>>
    %dma_start3A_202 = tpu.memref_squeeze %dma_start3A_201 : memref<1x128x128xf32, #tpu.memory_space<vmem>> -> memref<128x128xf32, #tpu.memory_space<vmem>>
    %dma_start3A_203 = arith.constant 0 : i32
    %dma_start3A_204 = tpu.memref_slice %arg6[%dma_start3A_198, %dma_start3A_203] : memref<1x128xi32, #tpu.memory_space<vmem>> -> memref<1x128xi32, #tpu.memory_space<vmem>>
    %dma_start3A_205 = tpu.memref_squeeze %dma_start3A_204 : memref<1x128xi32, #tpu.memory_space<vmem>> -> memref<128xi32, #tpu.memory_space<vmem>>
    %dma_start3A_206 = arith.constant 0 : i32
    %dma_start3A_207 = arith.constant 0 : i32
    %dma_start3A_208 = tpu.memref_slice %arg8[%dma_start3A_206, %dma_start3A_207] : memref<2048x128xf32, #tpu.memory_space<vmem_shared>> -> memref<2048x128xf32, #tpu.memory_space<vmem_shared>>
    tpu.enqueue_indirect_dma source(%dma_start3A_202 : memref<128x128xf32, #tpu.memory_space<vmem>>) target(%dma_start3A_208 : memref<2048x128xf32, #tpu.memory_space<vmem_shared>>) offsets(%dma_start3A_205 : memref<128xi32, #tpu.memory_space<vmem>>) semaphore(%arg15 : memref<!tpu.dma_semaphore, #tpu.memory_space<semaphore_mem>>) {add = true}
    %dma_wait3A_209 = arith.constant 1 : i32
    %dma_wait3A_210 = arith.constant 0 : i32
    %dma_wait3A_211 = arith.constant 0 : i32
    %dma_wait3A_212 = arith.constant 0 : i32
    %dma_wait3A_213 = tpu.memref_slice %arg7[%dma_wait3A_209, %dma_wait3A_211, %dma_wait3A_212] : memref<6x128x128xf32, #tpu.memory_space<vmem>> -> memref<1x128x128xf32, #tpu.memory_space<vmem>>
    %dma_wait3A_214 = tpu.memref_squeeze %dma_wait3A_213 : memref<1x128x128xf32, #tpu.memory_space<vmem>> -> memref<128x128xf32, #tpu.memory_space<vmem>>
    %dma_wait3A_215 = arith.constant 0 : i32
    %dma_wait3A_216 = tpu.memref_slice %arg6[%dma_wait3A_210, %dma_wait3A_215] : memref<1x128xi32, #tpu.memory_space<vmem>> -> memref<1x128xi32, #tpu.memory_space<vmem>>
    %dma_wait3A_217 = tpu.memref_squeeze %dma_wait3A_216 : memref<1x128xi32, #tpu.memory_space<vmem>> -> memref<128xi32, #tpu.memory_space<vmem>>
    %dma_wait3A_218 = arith.constant 0 : i32
    %dma_wait3A_219 = arith.constant 0 : i32
    %dma_wait3A_220 = tpu.memref_slice %arg8[%dma_wait3A_218, %dma_wait3A_219] : memref<2048x128xf32, #tpu.memory_space<vmem_shared>> -> memref<2048x128xf32, #tpu.memory_space<vmem_shared>>
    tpu.wait_indirect_dma semaphore(%arg15 : memref<!tpu.dma_semaphore, #tpu.memory_space<semaphore_mem>>) src(%dma_wait3A_214 : memref<128x128xf32, #tpu.memory_space<vmem>>) dst(%dma_wait3A_220 : memref<2048x128xf32, #tpu.memory_space<vmem_shared>>)
    %dma_start3A_221 = arith.constant 7 : i32
    %dma_start3A_222 = arith.constant 1 : i32
    %dma_start3A_223 = arith.constant 0 : i32
    %dma_start3A_224 = arith.constant 0 : i32
    %dma_start3A_225 = tpu.memref_slice %arg7[%dma_start3A_222, %dma_start3A_223, %dma_start3A_224] : memref<6x128x128xf32, #tpu.memory_space<vmem>> -> memref<1x128x128xf32, #tpu.memory_space<vmem>>
    %dma_start3A_226 = tpu.memref_squeeze %dma_start3A_225 : memref<1x128x128xf32, #tpu.memory_space<vmem>> -> memref<128x128xf32, #tpu.memory_space<vmem>>
    %dma_start3A_227 = arith.constant 0 : i32
    %dma_start3A_228 = tpu.memref_slice %arg5[%dma_start3A_221, %dma_start3A_227] : memref<50x128xi32, #tpu.memory_space<vmem>> -> memref<1x128xi32, #tpu.memory_space<vmem>>
    %dma_start3A_229 = tpu.memref_squeeze %dma_start3A_228 : memref<1x128xi32, #tpu.memory_space<vmem>> -> memref<128xi32, #tpu.memory_space<vmem>>
    %dma_start3A_230 = arith.constant 0 : i32
    %dma_start3A_231 = arith.constant 0 : i32
    %dma_start3A_232 = tpu.memref_slice %arg3[%dma_start3A_230, %dma_start3A_231] : memref<100000x128xf32, #tpu.memory_space<hbm>> -> memref<100000x128xf32, #tpu.memory_space<hbm>>
    tpu.enqueue_indirect_dma source(%dma_start3A_232 : memref<100000x128xf32, #tpu.memory_space<hbm>>) target(%dma_start3A_226 : memref<128x128xf32, #tpu.memory_space<vmem>>) offsets(%dma_start3A_229 : memref<128xi32, #tpu.memory_space<vmem>>) semaphore(%arg10 : memref<!tpu.dma_semaphore, #tpu.memory_space<semaphore_mem>>)
    %dma_wait3A_233 = arith.constant 0 : i32
    %dma_wait3A_234 = arith.constant 2 : i32
    %dma_wait3A_235 = arith.constant 0 : i32
    %dma_wait3A_236 = arith.constant 0 : i32
    %dma_wait3A_237 = tpu.memref_slice %arg7[%dma_wait3A_234, %dma_wait3A_235, %dma_wait3A_236] : memref<6x128x128xf32, #tpu.memory_space<vmem>> -> memref<1x128x128xf32, #tpu.memory_space<vmem>>
    %dma_wait3A_238 = tpu.memref_squeeze %dma_wait3A_237 : memref<1x128x128xf32, #tpu.memory_space<vmem>> -> memref<128x128xf32, #tpu.memory_space<vmem>>
    %dma_wait3A_239 = arith.constant 0 : i32
    %dma_wait3A_240 = tpu.memref_slice %arg5[%dma_wait3A_233, %dma_wait3A_239] : memref<50x128xi32, #tpu.memory_space<vmem>> -> memref<1x128xi32, #tpu.memory_space<vmem>>
    %dma_wait3A_241 = tpu.memref_squeeze %dma_wait3A_240 : memref<1x128xi32, #tpu.memory_space<vmem>> -> memref<128xi32, #tpu.memory_space<vmem>>
    %dma_wait3A_242 = arith.constant 0 : i32
    %dma_wait3A_243 = arith.constant 0 : i32
    %dma_wait3A_244 = tpu.memref_slice %arg3[%dma_wait3A_242, %dma_wait3A_243] : memref<100000x128xf32, #tpu.memory_space<hbm>> -> memref<100000x128xf32, #tpu.memory_space<hbm>>
    tpu.wait_indirect_dma semaphore(%arg11 : memref<!tpu.dma_semaphore, #tpu.memory_space<semaphore_mem>>) src(%dma_wait3A_244 : memref<100000x128xf32, #tpu.memory_space<hbm>>) dst(%dma_wait3A_238 : memref<128x128xf32, #tpu.memory_space<vmem>>)
    %dma_start3A_245 = arith.constant 2 : i32
    %dma_start3A_246 = arith.constant 0 : i32
    %dma_start3A_247 = arith.constant 0 : i32
    %dma_start3A_248 = arith.constant 0 : i32
    %dma_start3A_249 = tpu.memref_slice %arg7[%dma_start3A_245, %dma_start3A_247, %dma_start3A_248] : memref<6x128x128xf32, #tpu.memory_space<vmem>> -> memref<1x128x128xf32, #tpu.memory_space<vmem>>
    %dma_start3A_250 = tpu.memref_squeeze %dma_start3A_249 : memref<1x128x128xf32, #tpu.memory_space<vmem>> -> memref<128x128xf32, #tpu.memory_space<vmem>>
    %dma_start3A_251 = arith.constant 0 : i32
    %dma_start3A_252 = tpu.memref_slice %arg6[%dma_start3A_246, %dma_start3A_251] : memref<1x128xi32, #tpu.memory_space<vmem>> -> memref<1x128xi32, #tpu.memory_space<vmem>>
    %dma_start3A_253 = tpu.memref_squeeze %dma_start3A_252 : memref<1x128xi32, #tpu.memory_space<vmem>> -> memref<128xi32, #tpu.memory_space<vmem>>
    %dma_start3A_254 = arith.constant 0 : i32
    %dma_start3A_255 = arith.constant 0 : i32
    %dma_start3A_256 = tpu.memref_slice %arg8[%dma_start3A_254, %dma_start3A_255] : memref<2048x128xf32, #tpu.memory_space<vmem_shared>> -> memref<2048x128xf32, #tpu.memory_space<vmem_shared>>
    tpu.enqueue_indirect_dma source(%dma_start3A_250 : memref<128x128xf32, #tpu.memory_space<vmem>>) target(%dma_start3A_256 : memref<2048x128xf32, #tpu.memory_space<vmem_shared>>) offsets(%dma_start3A_253 : memref<128xi32, #tpu.memory_space<vmem>>) semaphore(%arg15 : memref<!tpu.dma_semaphore, #tpu.memory_space<semaphore_mem>>) {add = true}
    %dma_wait3A_257 = arith.constant 2 : i32
    %dma_wait3A_258 = arith.constant 0 : i32
    %dma_wait3A_259 = arith.constant 0 : i32
    %dma_wait3A_260 = arith.constant 0 : i32
    %dma_wait3A_261 = tpu.memref_slice %arg7[%dma_wait3A_257, %dma_wait3A_259, %dma_wait3A_260] : memref<6x128x128xf32, #tpu.memory_space<vmem>> -> memref<1x128x128xf32, #tpu.memory_space<vmem>>
    %dma_wait3A_262 = tpu.memref_squeeze %dma_wait3A_261 : memref<1x128x128xf32, #tpu.memory_space<vmem>> -> memref<128x128xf32, #tpu.memory_space<vmem>>
    %dma_wait3A_263 = arith.constant 0 : i32
    %dma_wait3A_264 = tpu.memref_slice %arg6[%dma_wait3A_258, %dma_wait3A_263] : memref<1x128xi32, #tpu.memory_space<vmem>> -> memref<1x128xi32, #tpu.memory_space<vmem>>
    %dma_wait3A_265 = tpu.memref_squeeze %dma_wait3A_264 : memref<1x128xi32, #tpu.memory_space<vmem>> -> memref<128xi32, #tpu.memory_space<vmem>>
    %dma_wait3A_266 = arith.constant 0 : i32
    %dma_wait3A_267 = arith.constant 0 : i32
    %dma_wait3A_268 = tpu.memref_slice %arg8[%dma_wait3A_266, %dma_wait3A_267] : memref<2048x128xf32, #tpu.memory_space<vmem_shared>> -> memref<2048x128xf32, #tpu.memory_space<vmem_shared>>
    tpu.wait_indirect_dma semaphore(%arg15 : memref<!tpu.dma_semaphore, #tpu.memory_space<semaphore_mem>>) src(%dma_wait3A_262 : memref<128x128xf32, #tpu.memory_space<vmem>>) dst(%dma_wait3A_268 : memref<2048x128xf32, #tpu.memory_space<vmem_shared>>)
    %dma_start3A_269 = arith.constant 8 : i32
    %dma_start3A_270 = arith.constant 2 : i32
    %dma_start3A_271 = arith.constant 0 : i32
    %dma_start3A_272 = arith.constant 0 : i32
    %dma_start3A_273 = tpu.memref_slice %arg7[%dma_start3A_270, %dma_start3A_271, %dma_start3A_272] : memref<6x128x128xf32, #tpu.memory_space<vmem>> -> memref<1x128x128xf32, #tpu.memory_space<vmem>>
    %dma_start3A_274 = tpu.memref_squeeze %dma_start3A_273 : memref<1x128x128xf32, #tpu.memory_space<vmem>> -> memref<128x128xf32, #tpu.memory_space<vmem>>
    %dma_start3A_275 = arith.constant 0 : i32
    %dma_start3A_276 = tpu.memref_slice %arg5[%dma_start3A_269, %dma_start3A_275] : memref<50x128xi32, #tpu.memory_space<vmem>> -> memref<1x128xi32, #tpu.memory_space<vmem>>
    %dma_start3A_277 = tpu.memref_squeeze %dma_start3A_276 : memref<1x128xi32, #tpu.memory_space<vmem>> -> memref<128xi32, #tpu.memory_space<vmem>>
    %dma_start3A_278 = arith.constant 0 : i32
    %dma_start3A_279 = arith.constant 0 : i32
    %dma_start3A_280 = tpu.memref_slice %arg3[%dma_start3A_278, %dma_start3A_279] : memref<100000x128xf32, #tpu.memory_space<hbm>> -> memref<100000x128xf32, #tpu.memory_space<hbm>>
    tpu.enqueue_indirect_dma source(%dma_start3A_280 : memref<100000x128xf32, #tpu.memory_space<hbm>>) target(%dma_start3A_274 : memref<128x128xf32, #tpu.memory_space<vmem>>) offsets(%dma_start3A_277 : memref<128xi32, #tpu.memory_space<vmem>>) semaphore(%arg11 : memref<!tpu.dma_semaphore, #tpu.memory_space<semaphore_mem>>)
    %dma_wait3A_281 = arith.constant 0 : i32
    %dma_wait3A_282 = arith.constant 3 : i32
    %dma_wait3A_283 = arith.constant 0 : i32
    %dma_wait3A_284 = arith.constant 0 : i32
    %dma_wait3A_285 = tpu.memref_slice %arg7[%dma_wait3A_282, %dma_wait3A_283, %dma_wait3A_284] : memref<6x128x128xf32, #tpu.memory_space<vmem>> -> memref<1x128x128xf32, #tpu.memory_space<vmem>>
    %dma_wait3A_286 = tpu.memref_squeeze %dma_wait3A_285 : memref<1x128x128xf32, #tpu.memory_space<vmem>> -> memref<128x128xf32, #tpu.memory_space<vmem>>
    %dma_wait3A_287 = arith.constant 0 : i32
    %dma_wait3A_288 = tpu.memref_slice %arg5[%dma_wait3A_281, %dma_wait3A_287] : memref<50x128xi32, #tpu.memory_space<vmem>> -> memref<1x128xi32, #tpu.memory_space<vmem>>
    %dma_wait3A_289 = tpu.memref_squeeze %dma_wait3A_288 : memref<1x128xi32, #tpu.memory_space<vmem>> -> memref<128xi32, #tpu.memory_space<vmem>>
    %dma_wait3A_290 = arith.constant 0 : i32
    %dma_wait3A_291 = arith.constant 0 : i32
    %dma_wait3A_292 = tpu.memref_slice %arg3[%dma_wait3A_290, %dma_wait3A_291] : memref<100000x128xf32, #tpu.memory_space<hbm>> -> memref<100000x128xf32, #tpu.memory_space<hbm>>
    tpu.wait_indirect_dma semaphore(%arg12 : memref<!tpu.dma_semaphore, #tpu.memory_space<semaphore_mem>>) src(%dma_wait3A_292 : memref<100000x128xf32, #tpu.memory_space<hbm>>) dst(%dma_wait3A_286 : memref<128x128xf32, #tpu.memory_space<vmem>>)
    %dma_start3A_293 = arith.constant 3 : i32
    %dma_start3A_294 = arith.constant 0 : i32
    %dma_start3A_295 = arith.constant 0 : i32
    %dma_start3A_296 = arith.constant 0 : i32
    %dma_start3A_297 = tpu.memref_slice %arg7[%dma_start3A_293, %dma_start3A_295, %dma_start3A_296] : memref<6x128x128xf32, #tpu.memory_space<vmem>> -> memref<1x128x128xf32, #tpu.memory_space<vmem>>
    %dma_start3A_298 = tpu.memref_squeeze %dma_start3A_297 : memref<1x128x128xf32, #tpu.memory_space<vmem>> -> memref<128x128xf32, #tpu.memory_space<vmem>>
    %dma_start3A_299 = arith.constant 0 : i32
    %dma_start3A_300 = tpu.memref_slice %arg6[%dma_start3A_294, %dma_start3A_299] : memref<1x128xi32, #tpu.memory_space<vmem>> -> memref<1x128xi32, #tpu.memory_space<vmem>>
    %dma_start3A_301 = tpu.memref_squeeze %dma_start3A_300 : memref<1x128xi32, #tpu.memory_space<vmem>> -> memref<128xi32, #tpu.memory_space<vmem>>
    %dma_start3A_302 = arith.constant 0 : i32
    %dma_start3A_303 = arith.constant 0 : i32
    %dma_start3A_304 = tpu.memref_slice %arg8[%dma_start3A_302, %dma_start3A_303] : memref<2048x128xf32, #tpu.memory_space<vmem_shared>> -> memref<2048x128xf32, #tpu.memory_space<vmem_shared>>
    tpu.enqueue_indirect_dma source(%dma_start3A_298 : memref<128x128xf32, #tpu.memory_space<vmem>>) target(%dma_start3A_304 : memref<2048x128xf32, #tpu.memory_space<vmem_shared>>) offsets(%dma_start3A_301 : memref<128xi32, #tpu.memory_space<vmem>>) semaphore(%arg15 : memref<!tpu.dma_semaphore, #tpu.memory_space<semaphore_mem>>) {add = true}
    %dma_wait3A_305 = arith.constant 3 : i32
    %dma_wait3A_306 = arith.constant 0 : i32
    %dma_wait3A_307 = arith.constant 0 : i32
    %dma_wait3A_308 = arith.constant 0 : i32
    %dma_wait3A_309 = tpu.memref_slice %arg7[%dma_wait3A_305, %dma_wait3A_307, %dma_wait3A_308] : memref<6x128x128xf32, #tpu.memory_space<vmem>> -> memref<1x128x128xf32, #tpu.memory_space<vmem>>
    %dma_wait3A_310 = tpu.memref_squeeze %dma_wait3A_309 : memref<1x128x128xf32, #tpu.memory_space<vmem>> -> memref<128x128xf32, #tpu.memory_space<vmem>>
    %dma_wait3A_311 = arith.constant 0 : i32
    %dma_wait3A_312 = tpu.memref_slice %arg6[%dma_wait3A_306, %dma_wait3A_311] : memref<1x128xi32, #tpu.memory_space<vmem>> -> memref<1x128xi32, #tpu.memory_space<vmem>>
    %dma_wait3A_313 = tpu.memref_squeeze %dma_wait3A_312 : memref<1x128xi32, #tpu.memory_space<vmem>> -> memref<128xi32, #tpu.memory_space<vmem>>
    %dma_wait3A_314 = arith.constant 0 : i32
    %dma_wait3A_315 = arith.constant 0 : i32
    %dma_wait3A_316 = tpu.memref_slice %arg8[%dma_wait3A_314, %dma_wait3A_315] : memref<2048x128xf32, #tpu.memory_space<vmem_shared>> -> memref<2048x128xf32, #tpu.memory_space<vmem_shared>>
    tpu.wait_indirect_dma semaphore(%arg15 : memref<!tpu.dma_semaphore, #tpu.memory_space<semaphore_mem>>) src(%dma_wait3A_310 : memref<128x128xf32, #tpu.memory_space<vmem>>) dst(%dma_wait3A_316 : memref<2048x128xf32, #tpu.memory_space<vmem_shared>>)
    %dma_start3A_317 = arith.constant 9 : i32
    %dma_start3A_318 = arith.constant 3 : i32
    %dma_start3A_319 = arith.constant 0 : i32
    %dma_start3A_320 = arith.constant 0 : i32
    %dma_start3A_321 = tpu.memref_slice %arg7[%dma_start3A_318, %dma_start3A_319, %dma_start3A_320] : memref<6x128x128xf32, #tpu.memory_space<vmem>> -> memref<1x128x128xf32, #tpu.memory_space<vmem>>
    %dma_start3A_322 = tpu.memref_squeeze %dma_start3A_321 : memref<1x128x128xf32, #tpu.memory_space<vmem>> -> memref<128x128xf32, #tpu.memory_space<vmem>>
    %dma_start3A_323 = arith.constant 0 : i32
    %dma_start3A_324 = tpu.memref_slice %arg5[%dma_start3A_317, %dma_start3A_323] : memref<50x128xi32, #tpu.memory_space<vmem>> -> memref<1x128xi32, #tpu.memory_space<vmem>>
    %dma_start3A_325 = tpu.memref_squeeze %dma_start3A_324 : memref<1x128xi32, #tpu.memory_space<vmem>> -> memref<128xi32, #tpu.memory_space<vmem>>
    %dma_start3A_326 = arith.constant 0 : i32
    %dma_start3A_327 = arith.constant 0 : i32
    %dma_start3A_328 = tpu.memref_slice %arg3[%dma_start3A_326, %dma_start3A_327] : memref<100000x128xf32, #tpu.memory_space<hbm>> -> memref<100000x128xf32, #tpu.memory_space<hbm>>
    tpu.enqueue_indirect_dma source(%dma_start3A_328 : memref<100000x128xf32, #tpu.memory_space<hbm>>) target(%dma_start3A_322 : memref<128x128xf32, #tpu.memory_space<vmem>>) offsets(%dma_start3A_325 : memref<128xi32, #tpu.memory_space<vmem>>) semaphore(%arg12 : memref<!tpu.dma_semaphore, #tpu.memory_space<semaphore_mem>>)
    %dma_wait3A_329 = arith.constant 0 : i32
    %dma_wait3A_330 = arith.constant 4 : i32
    %dma_wait3A_331 = arith.constant 0 : i32
    %dma_wait3A_332 = arith.constant 0 : i32
    %dma_wait3A_333 = tpu.memref_slice %arg7[%dma_wait3A_330, %dma_wait3A_331, %dma_wait3A_332] : memref<6x128x128xf32, #tpu.memory_space<vmem>> -> memref<1x128x128xf32, #tpu.memory_space<vmem>>
    %dma_wait3A_334 = tpu.memref_squeeze %dma_wait3A_333 : memref<1x128x128xf32, #tpu.memory_space<vmem>> -> memref<128x128xf32, #tpu.memory_space<vmem>>
    %dma_wait3A_335 = arith.constant 0 : i32
    %dma_wait3A_336 = tpu.memref_slice %arg5[%dma_wait3A_329, %dma_wait3A_335] : memref<50x128xi32, #tpu.memory_space<vmem>> -> memref<1x128xi32, #tpu.memory_space<vmem>>
    %dma_wait3A_337 = tpu.memref_squeeze %dma_wait3A_336 : memref<1x128xi32, #tpu.memory_space<vmem>> -> memref<128xi32, #tpu.memory_space<vmem>>
    %dma_wait3A_338 = arith.constant 0 : i32
    %dma_wait3A_339 = arith.constant 0 : i32
    %dma_wait3A_340 = tpu.memref_slice %arg3[%dma_wait3A_338, %dma_wait3A_339] : memref<100000x128xf32, #tpu.memory_space<hbm>> -> memref<100000x128xf32, #tpu.memory_space<hbm>>
    tpu.wait_indirect_dma semaphore(%arg13 : memref<!tpu.dma_semaphore, #tpu.memory_space<semaphore_mem>>) src(%dma_wait3A_340 : memref<100000x128xf32, #tpu.memory_space<hbm>>) dst(%dma_wait3A_334 : memref<128x128xf32, #tpu.memory_space<vmem>>)
    %dma_start3A_341 = arith.constant 4 : i32
    %dma_start3A_342 = arith.constant 0 : i32
    %dma_start3A_343 = arith.constant 0 : i32
    %dma_start3A_344 = arith.constant 0 : i32
    %dma_start3A_345 = tpu.memref_slice %arg7[%dma_start3A_341, %dma_start3A_343, %dma_start3A_344] : memref<6x128x128xf32, #tpu.memory_space<vmem>> -> memref<1x128x128xf32, #tpu.memory_space<vmem>>
    %dma_start3A_346 = tpu.memref_squeeze %dma_start3A_345 : memref<1x128x128xf32, #tpu.memory_space<vmem>> -> memref<128x128xf32, #tpu.memory_space<vmem>>
    %dma_start3A_347 = arith.constant 0 : i32
    %dma_start3A_348 = tpu.memref_slice %arg6[%dma_start3A_342, %dma_start3A_347] : memref<1x128xi32, #tpu.memory_space<vmem>> -> memref<1x128xi32, #tpu.memory_space<vmem>>
    %dma_start3A_349 = tpu.memref_squeeze %dma_start3A_348 : memref<1x128xi32, #tpu.memory_space<vmem>> -> memref<128xi32, #tpu.memory_space<vmem>>
    %dma_start3A_350 = arith.constant 0 : i32
    %dma_start3A_351 = arith.constant 0 : i32
    %dma_start3A_352 = tpu.memref_slice %arg8[%dma_start3A_350, %dma_start3A_351] : memref<2048x128xf32, #tpu.memory_space<vmem_shared>> -> memref<2048x128xf32, #tpu.memory_space<vmem_shared>>
    tpu.enqueue_indirect_dma source(%dma_start3A_346 : memref<128x128xf32, #tpu.memory_space<vmem>>) target(%dma_start3A_352 : memref<2048x128xf32, #tpu.memory_space<vmem_shared>>) offsets(%dma_start3A_349 : memref<128xi32, #tpu.memory_space<vmem>>) semaphore(%arg15 : memref<!tpu.dma_semaphore, #tpu.memory_space<semaphore_mem>>) {add = true}
    %dma_wait3A_353 = arith.constant 4 : i32
    %dma_wait3A_354 = arith.constant 0 : i32
    %dma_wait3A_355 = arith.constant 0 : i32
    %dma_wait3A_356 = arith.constant 0 : i32
    %dma_wait3A_357 = tpu.memref_slice %arg7[%dma_wait3A_353, %dma_wait3A_355, %dma_wait3A_356] : memref<6x128x128xf32, #tpu.memory_space<vmem>> -> memref<1x128x128xf32, #tpu.memory_space<vmem>>
    %dma_wait3A_358 = tpu.memref_squeeze %dma_wait3A_357 : memref<1x128x128xf32, #tpu.memory_space<vmem>> -> memref<128x128xf32, #tpu.memory_space<vmem>>
    %dma_wait3A_359 = arith.constant 0 : i32
    %dma_wait3A_360 = tpu.memref_slice %arg6[%dma_wait3A_354, %dma_wait3A_359] : memref<1x128xi32, #tpu.memory_space<vmem>> -> memref<1x128xi32, #tpu.memory_space<vmem>>
    %dma_wait3A_361 = tpu.memref_squeeze %dma_wait3A_360 : memref<1x128xi32, #tpu.memory_space<vmem>> -> memref<128xi32, #tpu.memory_space<vmem>>
    %dma_wait3A_362 = arith.constant 0 : i32
    %dma_wait3A_363 = arith.constant 0 : i32
    %dma_wait3A_364 = tpu.memref_slice %arg8[%dma_wait3A_362, %dma_wait3A_363] : memref<2048x128xf32, #tpu.memory_space<vmem_shared>> -> memref<2048x128xf32, #tpu.memory_space<vmem_shared>>
    tpu.wait_indirect_dma semaphore(%arg15 : memref<!tpu.dma_semaphore, #tpu.memory_space<semaphore_mem>>) src(%dma_wait3A_358 : memref<128x128xf32, #tpu.memory_space<vmem>>) dst(%dma_wait3A_364 : memref<2048x128xf32, #tpu.memory_space<vmem_shared>>)
    %dma_start3A_365 = arith.constant 10 : i32
    %dma_start3A_366 = arith.constant 4 : i32
    %dma_start3A_367 = arith.constant 0 : i32
    %dma_start3A_368 = arith.constant 0 : i32
    %dma_start3A_369 = tpu.memref_slice %arg7[%dma_start3A_366, %dma_start3A_367, %dma_start3A_368] : memref<6x128x128xf32, #tpu.memory_space<vmem>> -> memref<1x128x128xf32, #tpu.memory_space<vmem>>
    %dma_start3A_370 = tpu.memref_squeeze %dma_start3A_369 : memref<1x128x128xf32, #tpu.memory_space<vmem>> -> memref<128x128xf32, #tpu.memory_space<vmem>>
    %dma_start3A_371 = arith.constant 0 : i32
    %dma_start3A_372 = tpu.memref_slice %arg5[%dma_start3A_365, %dma_start3A_371] : memref<50x128xi32, #tpu.memory_space<vmem>> -> memref<1x128xi32, #tpu.memory_space<vmem>>
    %dma_start3A_373 = tpu.memref_squeeze %dma_start3A_372 : memref<1x128xi32, #tpu.memory_space<vmem>> -> memref<128xi32, #tpu.memory_space<vmem>>
    %dma_start3A_374 = arith.constant 0 : i32
    %dma_start3A_375 = arith.constant 0 : i32
    %dma_start3A_376 = tpu.memref_slice %arg3[%dma_start3A_374, %dma_start3A_375] : memref<100000x128xf32, #tpu.memory_space<hbm>> -> memref<100000x128xf32, #tpu.memory_space<hbm>>
    tpu.enqueue_indirect_dma source(%dma_start3A_376 : memref<100000x128xf32, #tpu.memory_space<hbm>>) target(%dma_start3A_370 : memref<128x128xf32, #tpu.memory_space<vmem>>) offsets(%dma_start3A_373 : memref<128xi32, #tpu.memory_space<vmem>>) semaphore(%arg13 : memref<!tpu.dma_semaphore, #tpu.memory_space<semaphore_mem>>)
    %dma_wait3A_377 = arith.constant 0 : i32
    %dma_wait3A_378 = arith.constant 5 : i32
    %dma_wait3A_379 = arith.constant 0 : i32
    %dma_wait3A_380 = arith.constant 0 : i32
    %dma_wait3A_381 = tpu.memref_slice %arg7[%dma_wait3A_378, %dma_wait3A_379, %dma_wait3A_380] : memref<6x128x128xf32, #tpu.memory_space<vmem>> -> memref<1x128x128xf32, #tpu.memory_space<vmem>>
    %dma_wait3A_382 = tpu.memref_squeeze %dma_wait3A_381 : memref<1x128x128xf32, #tpu.memory_space<vmem>> -> memref<128x128xf32, #tpu.memory_space<vmem>>
    %dma_wait3A_383 = arith.constant 0 : i32
    %dma_wait3A_384 = tpu.memref_slice %arg5[%dma_wait3A_377, %dma_wait3A_383] : memref<50x128xi32, #tpu.memory_space<vmem>> -> memref<1x128xi32, #tpu.memory_space<vmem>>
    %dma_wait3A_385 = tpu.memref_squeeze %dma_wait3A_384 : memref<1x128xi32, #tpu.memory_space<vmem>> -> memref<128xi32, #tpu.memory_space<vmem>>
    %dma_wait3A_386 = arith.constant 0 : i32
    %dma_wait3A_387 = arith.constant 0 : i32
    %dma_wait3A_388 = tpu.memref_slice %arg3[%dma_wait3A_386, %dma_wait3A_387] : memref<100000x128xf32, #tpu.memory_space<hbm>> -> memref<100000x128xf32, #tpu.memory_space<hbm>>
    tpu.wait_indirect_dma semaphore(%arg14 : memref<!tpu.dma_semaphore, #tpu.memory_space<semaphore_mem>>) src(%dma_wait3A_388 : memref<100000x128xf32, #tpu.memory_space<hbm>>) dst(%dma_wait3A_382 : memref<128x128xf32, #tpu.memory_space<vmem>>)
    %dma_start3A_389 = arith.constant 5 : i32
    %dma_start3A_390 = arith.constant 0 : i32
    %dma_start3A_391 = arith.constant 0 : i32
    %dma_start3A_392 = arith.constant 0 : i32
    %dma_start3A_393 = tpu.memref_slice %arg7[%dma_start3A_389, %dma_start3A_391, %dma_start3A_392] : memref<6x128x128xf32, #tpu.memory_space<vmem>> -> memref<1x128x128xf32, #tpu.memory_space<vmem>>
    %dma_start3A_394 = tpu.memref_squeeze %dma_start3A_393 : memref<1x128x128xf32, #tpu.memory_space<vmem>> -> memref<128x128xf32, #tpu.memory_space<vmem>>
    %dma_start3A_395 = arith.constant 0 : i32
    %dma_start3A_396 = tpu.memref_slice %arg6[%dma_start3A_390, %dma_start3A_395] : memref<1x128xi32, #tpu.memory_space<vmem>> -> memref<1x128xi32, #tpu.memory_space<vmem>>
    %dma_start3A_397 = tpu.memref_squeeze %dma_start3A_396 : memref<1x128xi32, #tpu.memory_space<vmem>> -> memref<128xi32, #tpu.memory_space<vmem>>
    %dma_start3A_398 = arith.constant 0 : i32
    %dma_start3A_399 = arith.constant 0 : i32
    %dma_start3A_400 = tpu.memref_slice %arg8[%dma_start3A_398, %dma_start3A_399] : memref<2048x128xf32, #tpu.memory_space<vmem_shared>> -> memref<2048x128xf32, #tpu.memory_space<vmem_shared>>
    tpu.enqueue_indirect_dma source(%dma_start3A_394 : memref<128x128xf32, #tpu.memory_space<vmem>>) target(%dma_start3A_400 : memref<2048x128xf32, #tpu.memory_space<vmem_shared>>) offsets(%dma_start3A_397 : memref<128xi32, #tpu.memory_space<vmem>>) semaphore(%arg15 : memref<!tpu.dma_semaphore, #tpu.memory_space<semaphore_mem>>) {add = true}
    %dma_wait3A_401 = arith.constant 5 : i32
    %dma_wait3A_402 = arith.constant 0 : i32
    %dma_wait3A_403 = arith.constant 0 : i32
    %dma_wait3A_404 = arith.constant 0 : i32
    %dma_wait3A_405 = tpu.memref_slice %arg7[%dma_wait3A_401, %dma_wait3A_403, %dma_wait3A_404] : memref<6x128x128xf32, #tpu.memory_space<vmem>> -> memref<1x128x128xf32, #tpu.memory_space<vmem>>
    %dma_wait3A_406 = tpu.memref_squeeze %dma_wait3A_405 : memref<1x128x128xf32, #tpu.memory_space<vmem>> -> memref<128x128xf32, #tpu.memory_space<vmem>>
    %dma_wait3A_407 = arith.constant 0 : i32
    %dma_wait3A_408 = tpu.memref_slice %arg6[%dma_wait3A_402, %dma_wait3A_407] : memref<1x128xi32, #tpu.memory_space<vmem>> -> memref<1x128xi32, #tpu.memory_space<vmem>>
    %dma_wait3A_409 = tpu.memref_squeeze %dma_wait3A_408 : memref<1x128xi32, #tpu.memory_space<vmem>> -> memref<128xi32, #tpu.memory_space<vmem>>
    %dma_wait3A_410 = arith.constant 0 : i32
    %dma_wait3A_411 = arith.constant 0 : i32
    %dma_wait3A_412 = tpu.memref_slice %arg8[%dma_wait3A_410, %dma_wait3A_411] : memref<2048x128xf32, #tpu.memory_space<vmem_shared>> -> memref<2048x128xf32, #tpu.memory_space<vmem_shared>>
    tpu.wait_indirect_dma semaphore(%arg15 : memref<!tpu.dma_semaphore, #tpu.memory_space<semaphore_mem>>) src(%dma_wait3A_406 : memref<128x128xf32, #tpu.memory_space<vmem>>) dst(%dma_wait3A_412 : memref<2048x128xf32, #tpu.memory_space<vmem_shared>>)
    %dma_start3A_413 = arith.constant 11 : i32
    %dma_start3A_414 = arith.constant 5 : i32
    %dma_start3A_415 = arith.constant 0 : i32
    %dma_start3A_416 = arith.constant 0 : i32
    %dma_start3A_417 = tpu.memref_slice %arg7[%dma_start3A_414, %dma_start3A_415, %dma_start3A_416] : memref<6x128x128xf32, #tpu.memory_space<vmem>> -> memref<1x128x128xf32, #tpu.memory_space<vmem>>
    %dma_start3A_418 = tpu.memref_squeeze %dma_start3A_417 : memref<1x128x128xf32, #tpu.memory_space<vmem>> -> memref<128x128xf32, #tpu.memory_space<vmem>>
    %dma_start3A_419 = arith.constant 0 : i32
    %dma_start3A_420 = tpu.memref_slice %arg5[%dma_start3A_413, %dma_start3A_419] : memref<50x128xi32, #tpu.memory_space<vmem>> -> memref<1x128xi32, #tpu.memory_space<vmem>>
    %dma_start3A_421 = tpu.memref_squeeze %dma_start3A_420 : memref<1x128xi32, #tpu.memory_space<vmem>> -> memref<128xi32, #tpu.memory_space<vmem>>
    %dma_start3A_422 = arith.constant 0 : i32
    %dma_start3A_423 = arith.constant 0 : i32
    %dma_start3A_424 = tpu.memref_slice %arg3[%dma_start3A_422, %dma_start3A_423] : memref<100000x128xf32, #tpu.memory_space<hbm>> -> memref<100000x128xf32, #tpu.memory_space<hbm>>
    tpu.enqueue_indirect_dma source(%dma_start3A_424 : memref<100000x128xf32, #tpu.memory_space<hbm>>) target(%dma_start3A_418 : memref<128x128xf32, #tpu.memory_space<vmem>>) offsets(%dma_start3A_421 : memref<128xi32, #tpu.memory_space<vmem>>) semaphore(%arg14 : memref<!tpu.dma_semaphore, #tpu.memory_space<semaphore_mem>>)
    %scan3A = arith.constant 1 : i32
    %scan3A_425 = arith.constant 6 : i32
    %scan3A_426 = arith.addi %scan3A, %scan3A_425 : i32
    %scan3A_427 = arith.constant 1 : i32
    scf.for %scan3A_741 = %scan3A to %scan3A_426 step %scan3A_427  : i32 {
      %dma_wait3A_742 = arith.constant 0 : i32
      %dma_wait3A_743 = arith.constant 0 : i32
      %dma_wait3A_744 = arith.constant 0 : i32
      %dma_wait3A_745 = arith.constant 0 : i32
      %dma_wait3A_746 = tpu.memref_slice %arg7[%dma_wait3A_743, %dma_wait3A_744, %dma_wait3A_745] : memref<6x128x128xf32, #tpu.memory_space<vmem>> -> memref<1x128x128xf32, #tpu.memory_space<vmem>>
      %dma_wait3A_747 = tpu.memref_squeeze %dma_wait3A_746 : memref<1x128x128xf32, #tpu.memory_space<vmem>> -> memref<128x128xf32, #tpu.memory_space<vmem>>
      %dma_wait3A_748 = arith.constant 0 : i32
      %dma_wait3A_749 = tpu.memref_slice %arg5[%dma_wait3A_742, %dma_wait3A_748] : memref<50x128xi32, #tpu.memory_space<vmem>> -> memref<1x128xi32, #tpu.memory_space<vmem>>
      %dma_wait3A_750 = tpu.memref_squeeze %dma_wait3A_749 : memref<1x128xi32, #tpu.memory_space<vmem>> -> memref<128xi32, #tpu.memory_space<vmem>>
      %dma_wait3A_751 = arith.constant 0 : i32
      %dma_wait3A_752 = arith.constant 0 : i32
      %dma_wait3A_753 = tpu.memref_slice %arg3[%dma_wait3A_751, %dma_wait3A_752] : memref<100000x128xf32, #tpu.memory_space<hbm>> -> memref<100000x128xf32, #tpu.memory_space<hbm>>
      tpu.wait_indirect_dma semaphore(%arg9 : memref<!tpu.dma_semaphore, #tpu.memory_space<semaphore_mem>>) src(%dma_wait3A_753 : memref<100000x128xf32, #tpu.memory_space<hbm>>) dst(%dma_wait3A_747 : memref<128x128xf32, #tpu.memory_space<vmem>>)
      %dma_start3A_754 = arith.constant 0 : i32
      %dma_start3A_755 = arith.constant 0 : i32
      %dma_start3A_756 = arith.constant 0 : i32
      %dma_start3A_757 = arith.constant 0 : i32
      %dma_start3A_758 = tpu.memref_slice %arg7[%dma_start3A_754, %dma_start3A_756, %dma_start3A_757] : memref<6x128x128xf32, #tpu.memory_space<vmem>> -> memref<1x128x128xf32, #tpu.memory_space<vmem>>
      %dma_start3A_759 = tpu.memref_squeeze %dma_start3A_758 : memref<1x128x128xf32, #tpu.memory_space<vmem>> -> memref<128x128xf32, #tpu.memory_space<vmem>>
      %dma_start3A_760 = arith.constant 0 : i32
      %dma_start3A_761 = tpu.memref_slice %arg6[%dma_start3A_755, %dma_start3A_760] : memref<1x128xi32, #tpu.memory_space<vmem>> -> memref<1x128xi32, #tpu.memory_space<vmem>>
      %dma_start3A_762 = tpu.memref_squeeze %dma_start3A_761 : memref<1x128xi32, #tpu.memory_space<vmem>> -> memref<128xi32, #tpu.memory_space<vmem>>
      %dma_start3A_763 = arith.constant 0 : i32
      %dma_start3A_764 = arith.constant 0 : i32
      %dma_start3A_765 = tpu.memref_slice %arg8[%dma_start3A_763, %dma_start3A_764] : memref<2048x128xf32, #tpu.memory_space<vmem_shared>> -> memref<2048x128xf32, #tpu.memory_space<vmem_shared>>
      tpu.enqueue_indirect_dma source(%dma_start3A_759 : memref<128x128xf32, #tpu.memory_space<vmem>>) target(%dma_start3A_765 : memref<2048x128xf32, #tpu.memory_space<vmem_shared>>) offsets(%dma_start3A_762 : memref<128xi32, #tpu.memory_space<vmem>>) semaphore(%arg15 : memref<!tpu.dma_semaphore, #tpu.memory_space<semaphore_mem>>) {add = true}
      %dma_wait3A_766 = arith.constant 0 : i32
      %dma_wait3A_767 = arith.constant 0 : i32
      %dma_wait3A_768 = arith.constant 0 : i32
      %dma_wait3A_769 = arith.constant 0 : i32
      %dma_wait3A_770 = tpu.memref_slice %arg7[%dma_wait3A_766, %dma_wait3A_768, %dma_wait3A_769] : memref<6x128x128xf32, #tpu.memory_space<vmem>> -> memref<1x128x128xf32, #tpu.memory_space<vmem>>
      %dma_wait3A_771 = tpu.memref_squeeze %dma_wait3A_770 : memref<1x128x128xf32, #tpu.memory_space<vmem>> -> memref<128x128xf32, #tpu.memory_space<vmem>>
      %dma_wait3A_772 = arith.constant 0 : i32
      %dma_wait3A_773 = tpu.memref_slice %arg6[%dma_wait3A_767, %dma_wait3A_772] : memref<1x128xi32, #tpu.memory_space<vmem>> -> memref<1x128xi32, #tpu.memory_space<vmem>>
      %dma_wait3A_774 = tpu.memref_squeeze %dma_wait3A_773 : memref<1x128xi32, #tpu.memory_space<vmem>> -> memref<128xi32, #tpu.memory_space<vmem>>
      %dma_wait3A_775 = arith.constant 0 : i32
      %dma_wait3A_776 = arith.constant 0 : i32
      %dma_wait3A_777 = tpu.memref_slice %arg8[%dma_wait3A_775, %dma_wait3A_776] : memref<2048x128xf32, #tpu.memory_space<vmem_shared>> -> memref<2048x128xf32, #tpu.memory_space<vmem_shared>>
      tpu.wait_indirect_dma semaphore(%arg15 : memref<!tpu.dma_semaphore, #tpu.memory_space<semaphore_mem>>) src(%dma_wait3A_771 : memref<128x128xf32, #tpu.memory_space<vmem>>) dst(%dma_wait3A_777 : memref<2048x128xf32, #tpu.memory_space<vmem_shared>>)
      %add3A_778 = arith.constant 1 : i32
      %add3A_779 = arith.addi %scan3A_741, %add3A_778 : i32
      %mul3A_780 = arith.constant 6 : i32
      %mul3A_781 = arith.muli %add3A_779, %mul3A_780 : i32
      %add3A_782 = arith.constant 0 : i32
      %add3A_783 = arith.addi %mul3A_781, %add3A_782 : i32
      %dma_start3A_784 = arith.constant 0 : i32
      %dma_start3A_785 = arith.constant 0 : i32
      %dma_start3A_786 = arith.constant 0 : i32
      %dma_start3A_787 = tpu.memref_slice %arg7[%dma_start3A_784, %dma_start3A_785, %dma_start3A_786] : memref<6x128x128xf32, #tpu.memory_space<vmem>> -> memref<1x128x128xf32, #tpu.memory_space<vmem>>
      %dma_start3A_788 = tpu.memref_squeeze %dma_start3A_787 : memref<1x128x128xf32, #tpu.memory_space<vmem>> -> memref<128x128xf32, #tpu.memory_space<vmem>>
      %dma_start3A_789 = arith.constant 0 : i32
      %dma_start3A_790 = tpu.memref_slice %arg5[%add3A_783, %dma_start3A_789] : memref<50x128xi32, #tpu.memory_space<vmem>> -> memref<1x128xi32, #tpu.memory_space<vmem>>
      %dma_start3A_791 = tpu.memref_squeeze %dma_start3A_790 : memref<1x128xi32, #tpu.memory_space<vmem>> -> memref<128xi32, #tpu.memory_space<vmem>>
      %dma_start3A_792 = arith.constant 0 : i32
      %dma_start3A_793 = arith.constant 0 : i32
      %dma_start3A_794 = tpu.memref_slice %arg3[%dma_start3A_792, %dma_start3A_793] : memref<100000x128xf32, #tpu.memory_space<hbm>> -> memref<100000x128xf32, #tpu.memory_space<hbm>>
      tpu.enqueue_indirect_dma source(%dma_start3A_794 : memref<100000x128xf32, #tpu.memory_space<hbm>>) target(%dma_start3A_788 : memref<128x128xf32, #tpu.memory_space<vmem>>) offsets(%dma_start3A_791 : memref<128xi32, #tpu.memory_space<vmem>>) semaphore(%arg9 : memref<!tpu.dma_semaphore, #tpu.memory_space<semaphore_mem>>)
      %dma_wait3A_795 = arith.constant 0 : i32
      %dma_wait3A_796 = arith.constant 1 : i32
      %dma_wait3A_797 = arith.constant 0 : i32
      %dma_wait3A_798 = arith.constant 0 : i32
      %dma_wait3A_799 = tpu.memref_slice %arg7[%dma_wait3A_796, %dma_wait3A_797, %dma_wait3A_798] : memref<6x128x128xf32, #tpu.memory_space<vmem>> -> memref<1x128x128xf32, #tpu.memory_space<vmem>>
      %dma_wait3A_800 = tpu.memref_squeeze %dma_wait3A_799 : memref<1x128x128xf32, #tpu.memory_space<vmem>> -> memref<128x128xf32, #tpu.memory_space<vmem>>
      %dma_wait3A_801 = arith.constant 0 : i32
      %dma_wait3A_802 = tpu.memref_slice %arg5[%dma_wait3A_795, %dma_wait3A_801] : memref<50x128xi32, #tpu.memory_space<vmem>> -> memref<1x128xi32, #tpu.memory_space<vmem>>
      %dma_wait3A_803 = tpu.memref_squeeze %dma_wait3A_802 : memref<1x128xi32, #tpu.memory_space<vmem>> -> memref<128xi32, #tpu.memory_space<vmem>>
      %dma_wait3A_804 = arith.constant 0 : i32
      %dma_wait3A_805 = arith.constant 0 : i32
      %dma_wait3A_806 = tpu.memref_slice %arg3[%dma_wait3A_804, %dma_wait3A_805] : memref<100000x128xf32, #tpu.memory_space<hbm>> -> memref<100000x128xf32, #tpu.memory_space<hbm>>
      tpu.wait_indirect_dma semaphore(%arg10 : memref<!tpu.dma_semaphore, #tpu.memory_space<semaphore_mem>>) src(%dma_wait3A_806 : memref<100000x128xf32, #tpu.memory_space<hbm>>) dst(%dma_wait3A_800 : memref<128x128xf32, #tpu.memory_space<vmem>>)
      %dma_start3A_807 = arith.constant 1 : i32
      %dma_start3A_808 = arith.constant 0 : i32
      %dma_start3A_809 = arith.constant 0 : i32
      %dma_start3A_810 = arith.constant 0 : i32
      %dma_start3A_811 = tpu.memref_slice %arg7[%dma_start3A_807, %dma_start3A_809, %dma_start3A_810] : memref<6x128x128xf32, #tpu.memory_space<vmem>> -> memref<1x128x128xf32, #tpu.memory_space<vmem>>
      %dma_start3A_812 = tpu.memref_squeeze %dma_start3A_811 : memref<1x128x128xf32, #tpu.memory_space<vmem>> -> memref<128x128xf32, #tpu.memory_space<vmem>>
      %dma_start3A_813 = arith.constant 0 : i32
      %dma_start3A_814 = tpu.memref_slice %arg6[%dma_start3A_808, %dma_start3A_813] : memref<1x128xi32, #tpu.memory_space<vmem>> -> memref<1x128xi32, #tpu.memory_space<vmem>>
      %dma_start3A_815 = tpu.memref_squeeze %dma_start3A_814 : memref<1x128xi32, #tpu.memory_space<vmem>> -> memref<128xi32, #tpu.memory_space<vmem>>
      %dma_start3A_816 = arith.constant 0 : i32
      %dma_start3A_817 = arith.constant 0 : i32
      %dma_start3A_818 = tpu.memref_slice %arg8[%dma_start3A_816, %dma_start3A_817] : memref<2048x128xf32, #tpu.memory_space<vmem_shared>> -> memref<2048x128xf32, #tpu.memory_space<vmem_shared>>
      tpu.enqueue_indirect_dma source(%dma_start3A_812 : memref<128x128xf32, #tpu.memory_space<vmem>>) target(%dma_start3A_818 : memref<2048x128xf32, #tpu.memory_space<vmem_shared>>) offsets(%dma_start3A_815 : memref<128xi32, #tpu.memory_space<vmem>>) semaphore(%arg15 : memref<!tpu.dma_semaphore, #tpu.memory_space<semaphore_mem>>) {add = true}
      %dma_wait3A_819 = arith.constant 1 : i32
      %dma_wait3A_820 = arith.constant 0 : i32
      %dma_wait3A_821 = arith.constant 0 : i32
      %dma_wait3A_822 = arith.constant 0 : i32
      %dma_wait3A_823 = tpu.memref_slice %arg7[%dma_wait3A_819, %dma_wait3A_821, %dma_wait3A_822] : memref<6x128x128xf32, #tpu.memory_space<vmem>> -> memref<1x128x128xf32, #tpu.memory_space<vmem>>
      %dma_wait3A_824 = tpu.memref_squeeze %dma_wait3A_823 : memref<1x128x128xf32, #tpu.memory_space<vmem>> -> memref<128x128xf32, #tpu.memory_space<vmem>>
      %dma_wait3A_825 = arith.constant 0 : i32
      %dma_wait3A_826 = tpu.memref_slice %arg6[%dma_wait3A_820, %dma_wait3A_825] : memref<1x128xi32, #tpu.memory_space<vmem>> -> memref<1x128xi32, #tpu.memory_space<vmem>>
      %dma_wait3A_827 = tpu.memref_squeeze %dma_wait3A_826 : memref<1x128xi32, #tpu.memory_space<vmem>> -> memref<128xi32, #tpu.memory_space<vmem>>
      %dma_wait3A_828 = arith.constant 0 : i32
      %dma_wait3A_829 = arith.constant 0 : i32
      %dma_wait3A_830 = tpu.memref_slice %arg8[%dma_wait3A_828, %dma_wait3A_829] : memref<2048x128xf32, #tpu.memory_space<vmem_shared>> -> memref<2048x128xf32, #tpu.memory_space<vmem_shared>>
      tpu.wait_indirect_dma semaphore(%arg15 : memref<!tpu.dma_semaphore, #tpu.memory_space<semaphore_mem>>) src(%dma_wait3A_824 : memref<128x128xf32, #tpu.memory_space<vmem>>) dst(%dma_wait3A_830 : memref<2048x128xf32, #tpu.memory_space<vmem_shared>>)
      %add3A_831 = arith.constant 1 : i32
      %add3A_832 = arith.addi %scan3A_741, %add3A_831 : i32
      %mul3A_833 = arith.constant 6 : i32
      %mul3A_834 = arith.muli %add3A_832, %mul3A_833 : i32
      %add3A_835 = arith.constant 1 : i32
      %add3A_836 = arith.addi %mul3A_834, %add3A_835 : i32
      %dma_start3A_837 = arith.constant 1 : i32
      %dma_start3A_838 = arith.constant 0 : i32
      %dma_start3A_839 = arith.constant 0 : i32
      %dma_start3A_840 = tpu.memref_slice %arg7[%dma_start3A_837, %dma_start3A_838, %dma_start3A_839] : memref<6x128x128xf32, #tpu.memory_space<vmem>> -> memref<1x128x128xf32, #tpu.memory_space<vmem>>
      %dma_start3A_841 = tpu.memref_squeeze %dma_start3A_840 : memref<1x128x128xf32, #tpu.memory_space<vmem>> -> memref<128x128xf32, #tpu.memory_space<vmem>>
      %dma_start3A_842 = arith.constant 0 : i32
      %dma_start3A_843 = tpu.memref_slice %arg5[%add3A_836, %dma_start3A_842] : memref<50x128xi32, #tpu.memory_space<vmem>> -> memref<1x128xi32, #tpu.memory_space<vmem>>
      %dma_start3A_844 = tpu.memref_squeeze %dma_start3A_843 : memref<1x128xi32, #tpu.memory_space<vmem>> -> memref<128xi32, #tpu.memory_space<vmem>>
      %dma_start3A_845 = arith.constant 0 : i32
      %dma_start3A_846 = arith.constant 0 : i32
      %dma_start3A_847 = tpu.memref_slice %arg3[%dma_start3A_845, %dma_start3A_846] : memref<100000x128xf32, #tpu.memory_space<hbm>> -> memref<100000x128xf32, #tpu.memory_space<hbm>>
      tpu.enqueue_indirect_dma source(%dma_start3A_847 : memref<100000x128xf32, #tpu.memory_space<hbm>>) target(%dma_start3A_841 : memref<128x128xf32, #tpu.memory_space<vmem>>) offsets(%dma_start3A_844 : memref<128xi32, #tpu.memory_space<vmem>>) semaphore(%arg10 : memref<!tpu.dma_semaphore, #tpu.memory_space<semaphore_mem>>)
      %dma_wait3A_848 = arith.constant 0 : i32
      %dma_wait3A_849 = arith.constant 2 : i32
      %dma_wait3A_850 = arith.constant 0 : i32
      %dma_wait3A_851 = arith.constant 0 : i32
      %dma_wait3A_852 = tpu.memref_slice %arg7[%dma_wait3A_849, %dma_wait3A_850, %dma_wait3A_851] : memref<6x128x128xf32, #tpu.memory_space<vmem>> -> memref<1x128x128xf32, #tpu.memory_space<vmem>>
      %dma_wait3A_853 = tpu.memref_squeeze %dma_wait3A_852 : memref<1x128x128xf32, #tpu.memory_space<vmem>> -> memref<128x128xf32, #tpu.memory_space<vmem>>
      %dma_wait3A_854 = arith.constant 0 : i32
      %dma_wait3A_855 = tpu.memref_slice %arg5[%dma_wait3A_848, %dma_wait3A_854] : memref<50x128xi32, #tpu.memory_space<vmem>> -> memref<1x128xi32, #tpu.memory_space<vmem>>
      %dma_wait3A_856 = tpu.memref_squeeze %dma_wait3A_855 : memref<1x128xi32, #tpu.memory_space<vmem>> -> memref<128xi32, #tpu.memory_space<vmem>>
      %dma_wait3A_857 = arith.constant 0 : i32
      %dma_wait3A_858 = arith.constant 0 : i32
      %dma_wait3A_859 = tpu.memref_slice %arg3[%dma_wait3A_857, %dma_wait3A_858] : memref<100000x128xf32, #tpu.memory_space<hbm>> -> memref<100000x128xf32, #tpu.memory_space<hbm>>
      tpu.wait_indirect_dma semaphore(%arg11 : memref<!tpu.dma_semaphore, #tpu.memory_space<semaphore_mem>>) src(%dma_wait3A_859 : memref<100000x128xf32, #tpu.memory_space<hbm>>) dst(%dma_wait3A_853 : memref<128x128xf32, #tpu.memory_space<vmem>>)
      %dma_start3A_860 = arith.constant 2 : i32
      %dma_start3A_861 = arith.constant 0 : i32
      %dma_start3A_862 = arith.constant 0 : i32
      %dma_start3A_863 = arith.constant 0 : i32
      %dma_start3A_864 = tpu.memref_slice %arg7[%dma_start3A_860, %dma_start3A_862, %dma_start3A_863] : memref<6x128x128xf32, #tpu.memory_space<vmem>> -> memref<1x128x128xf32, #tpu.memory_space<vmem>>
      %dma_start3A_865 = tpu.memref_squeeze %dma_start3A_864 : memref<1x128x128xf32, #tpu.memory_space<vmem>> -> memref<128x128xf32, #tpu.memory_space<vmem>>
      %dma_start3A_866 = arith.constant 0 : i32
      %dma_start3A_867 = tpu.memref_slice %arg6[%dma_start3A_861, %dma_start3A_866] : memref<1x128xi32, #tpu.memory_space<vmem>> -> memref<1x128xi32, #tpu.memory_space<vmem>>
      %dma_start3A_868 = tpu.memref_squeeze %dma_start3A_867 : memref<1x128xi32, #tpu.memory_space<vmem>> -> memref<128xi32, #tpu.memory_space<vmem>>
      %dma_start3A_869 = arith.constant 0 : i32
      %dma_start3A_870 = arith.constant 0 : i32
      %dma_start3A_871 = tpu.memref_slice %arg8[%dma_start3A_869, %dma_start3A_870] : memref<2048x128xf32, #tpu.memory_space<vmem_shared>> -> memref<2048x128xf32, #tpu.memory_space<vmem_shared>>
      tpu.enqueue_indirect_dma source(%dma_start3A_865 : memref<128x128xf32, #tpu.memory_space<vmem>>) target(%dma_start3A_871 : memref<2048x128xf32, #tpu.memory_space<vmem_shared>>) offsets(%dma_start3A_868 : memref<128xi32, #tpu.memory_space<vmem>>) semaphore(%arg15 : memref<!tpu.dma_semaphore, #tpu.memory_space<semaphore_mem>>) {add = true}
      %dma_wait3A_872 = arith.constant 2 : i32
      %dma_wait3A_873 = arith.constant 0 : i32
      %dma_wait3A_874 = arith.constant 0 : i32
      %dma_wait3A_875 = arith.constant 0 : i32
      %dma_wait3A_876 = tpu.memref_slice %arg7[%dma_wait3A_872, %dma_wait3A_874, %dma_wait3A_875] : memref<6x128x128xf32, #tpu.memory_space<vmem>> -> memref<1x128x128xf32, #tpu.memory_space<vmem>>
      %dma_wait3A_877 = tpu.memref_squeeze %dma_wait3A_876 : memref<1x128x128xf32, #tpu.memory_space<vmem>> -> memref<128x128xf32, #tpu.memory_space<vmem>>
      %dma_wait3A_878 = arith.constant 0 : i32
      %dma_wait3A_879 = tpu.memref_slice %arg6[%dma_wait3A_873, %dma_wait3A_878] : memref<1x128xi32, #tpu.memory_space<vmem>> -> memref<1x128xi32, #tpu.memory_space<vmem>>
      %dma_wait3A_880 = tpu.memref_squeeze %dma_wait3A_879 : memref<1x128xi32, #tpu.memory_space<vmem>> -> memref<128xi32, #tpu.memory_space<vmem>>
      %dma_wait3A_881 = arith.constant 0 : i32
      %dma_wait3A_882 = arith.constant 0 : i32
      %dma_wait3A_883 = tpu.memref_slice %arg8[%dma_wait3A_881, %dma_wait3A_882] : memref<2048x128xf32, #tpu.memory_space<vmem_shared>> -> memref<2048x128xf32, #tpu.memory_space<vmem_shared>>
      tpu.wait_indirect_dma semaphore(%arg15 : memref<!tpu.dma_semaphore, #tpu.memory_space<semaphore_mem>>) src(%dma_wait3A_877 : memref<128x128xf32, #tpu.memory_space<vmem>>) dst(%dma_wait3A_883 : memref<2048x128xf32, #tpu.memory_space<vmem_shared>>)
      %add3A_884 = arith.constant 1 : i32
      %add3A_885 = arith.addi %scan3A_741, %add3A_884 : i32
      %mul3A_886 = arith.constant 6 : i32
      %mul3A_887 = arith.muli %add3A_885, %mul3A_886 : i32
      %add3A_888 = arith.constant 2 : i32
      %add3A_889 = arith.addi %mul3A_887, %add3A_888 : i32
      %dma_start3A_890 = arith.constant 2 : i32
      %dma_start3A_891 = arith.constant 0 : i32
      %dma_start3A_892 = arith.constant 0 : i32
      %dma_start3A_893 = tpu.memref_slice %arg7[%dma_start3A_890, %dma_start3A_891, %dma_start3A_892] : memref<6x128x128xf32, #tpu.memory_space<vmem>> -> memref<1x128x128xf32, #tpu.memory_space<vmem>>
      %dma_start3A_894 = tpu.memref_squeeze %dma_start3A_893 : memref<1x128x128xf32, #tpu.memory_space<vmem>> -> memref<128x128xf32, #tpu.memory_space<vmem>>
      %dma_start3A_895 = arith.constant 0 : i32
      %dma_start3A_896 = tpu.memref_slice %arg5[%add3A_889, %dma_start3A_895] : memref<50x128xi32, #tpu.memory_space<vmem>> -> memref<1x128xi32, #tpu.memory_space<vmem>>
      %dma_start3A_897 = tpu.memref_squeeze %dma_start3A_896 : memref<1x128xi32, #tpu.memory_space<vmem>> -> memref<128xi32, #tpu.memory_space<vmem>>
      %dma_start3A_898 = arith.constant 0 : i32
      %dma_start3A_899 = arith.constant 0 : i32
      %dma_start3A_900 = tpu.memref_slice %arg3[%dma_start3A_898, %dma_start3A_899] : memref<100000x128xf32, #tpu.memory_space<hbm>> -> memref<100000x128xf32, #tpu.memory_space<hbm>>
      tpu.enqueue_indirect_dma source(%dma_start3A_900 : memref<100000x128xf32, #tpu.memory_space<hbm>>) target(%dma_start3A_894 : memref<128x128xf32, #tpu.memory_space<vmem>>) offsets(%dma_start3A_897 : memref<128xi32, #tpu.memory_space<vmem>>) semaphore(%arg11 : memref<!tpu.dma_semaphore, #tpu.memory_space<semaphore_mem>>)
      %dma_wait3A_901 = arith.constant 0 : i32
      %dma_wait3A_902 = arith.constant 3 : i32
      %dma_wait3A_903 = arith.constant 0 : i32
      %dma_wait3A_904 = arith.constant 0 : i32
      %dma_wait3A_905 = tpu.memref_slice %arg7[%dma_wait3A_902, %dma_wait3A_903, %dma_wait3A_904] : memref<6x128x128xf32, #tpu.memory_space<vmem>> -> memref<1x128x128xf32, #tpu.memory_space<vmem>>
      %dma_wait3A_906 = tpu.memref_squeeze %dma_wait3A_905 : memref<1x128x128xf32, #tpu.memory_space<vmem>> -> memref<128x128xf32, #tpu.memory_space<vmem>>
      %dma_wait3A_907 = arith.constant 0 : i32
      %dma_wait3A_908 = tpu.memref_slice %arg5[%dma_wait3A_901, %dma_wait3A_907] : memref<50x128xi32, #tpu.memory_space<vmem>> -> memref<1x128xi32, #tpu.memory_space<vmem>>
      %dma_wait3A_909 = tpu.memref_squeeze %dma_wait3A_908 : memref<1x128xi32, #tpu.memory_space<vmem>> -> memref<128xi32, #tpu.memory_space<vmem>>
      %dma_wait3A_910 = arith.constant 0 : i32
      %dma_wait3A_911 = arith.constant 0 : i32
      %dma_wait3A_912 = tpu.memref_slice %arg3[%dma_wait3A_910, %dma_wait3A_911] : memref<100000x128xf32, #tpu.memory_space<hbm>> -> memref<100000x128xf32, #tpu.memory_space<hbm>>
      tpu.wait_indirect_dma semaphore(%arg12 : memref<!tpu.dma_semaphore, #tpu.memory_space<semaphore_mem>>) src(%dma_wait3A_912 : memref<100000x128xf32, #tpu.memory_space<hbm>>) dst(%dma_wait3A_906 : memref<128x128xf32, #tpu.memory_space<vmem>>)
      %dma_start3A_913 = arith.constant 3 : i32
      %dma_start3A_914 = arith.constant 0 : i32
      %dma_start3A_915 = arith.constant 0 : i32
      %dma_start3A_916 = arith.constant 0 : i32
      %dma_start3A_917 = tpu.memref_slice %arg7[%dma_start3A_913, %dma_start3A_915, %dma_start3A_916] : memref<6x128x128xf32, #tpu.memory_space<vmem>> -> memref<1x128x128xf32, #tpu.memory_space<vmem>>
      %dma_start3A_918 = tpu.memref_squeeze %dma_start3A_917 : memref<1x128x128xf32, #tpu.memory_space<vmem>> -> memref<128x128xf32, #tpu.memory_space<vmem>>
      %dma_start3A_919 = arith.constant 0 : i32
      %dma_start3A_920 = tpu.memref_slice %arg6[%dma_start3A_914, %dma_start3A_919] : memref<1x128xi32, #tpu.memory_space<vmem>> -> memref<1x128xi32, #tpu.memory_space<vmem>>
      %dma_start3A_921 = tpu.memref_squeeze %dma_start3A_920 : memref<1x128xi32, #tpu.memory_space<vmem>> -> memref<128xi32, #tpu.memory_space<vmem>>
      %dma_start3A_922 = arith.constant 0 : i32
      %dma_start3A_923 = arith.constant 0 : i32
      %dma_start3A_924 = tpu.memref_slice %arg8[%dma_start3A_922, %dma_start3A_923] : memref<2048x128xf32, #tpu.memory_space<vmem_shared>> -> memref<2048x128xf32, #tpu.memory_space<vmem_shared>>
      tpu.enqueue_indirect_dma source(%dma_start3A_918 : memref<128x128xf32, #tpu.memory_space<vmem>>) target(%dma_start3A_924 : memref<2048x128xf32, #tpu.memory_space<vmem_shared>>) offsets(%dma_start3A_921 : memref<128xi32, #tpu.memory_space<vmem>>) semaphore(%arg15 : memref<!tpu.dma_semaphore, #tpu.memory_space<semaphore_mem>>) {add = true}
      %dma_wait3A_925 = arith.constant 3 : i32
      %dma_wait3A_926 = arith.constant 0 : i32
      %dma_wait3A_927 = arith.constant 0 : i32
      %dma_wait3A_928 = arith.constant 0 : i32
      %dma_wait3A_929 = tpu.memref_slice %arg7[%dma_wait3A_925, %dma_wait3A_927, %dma_wait3A_928] : memref<6x128x128xf32, #tpu.memory_space<vmem>> -> memref<1x128x128xf32, #tpu.memory_space<vmem>>
      %dma_wait3A_930 = tpu.memref_squeeze %dma_wait3A_929 : memref<1x128x128xf32, #tpu.memory_space<vmem>> -> memref<128x128xf32, #tpu.memory_space<vmem>>
      %dma_wait3A_931 = arith.constant 0 : i32
      %dma_wait3A_932 = tpu.memref_slice %arg6[%dma_wait3A_926, %dma_wait3A_931] : memref<1x128xi32, #tpu.memory_space<vmem>> -> memref<1x128xi32, #tpu.memory_space<vmem>>
      %dma_wait3A_933 = tpu.memref_squeeze %dma_wait3A_932 : memref<1x128xi32, #tpu.memory_space<vmem>> -> memref<128xi32, #tpu.memory_space<vmem>>
      %dma_wait3A_934 = arith.constant 0 : i32
      %dma_wait3A_935 = arith.constant 0 : i32
      %dma_wait3A_936 = tpu.memref_slice %arg8[%dma_wait3A_934, %dma_wait3A_935] : memref<2048x128xf32, #tpu.memory_space<vmem_shared>> -> memref<2048x128xf32, #tpu.memory_space<vmem_shared>>
      tpu.wait_indirect_dma semaphore(%arg15 : memref<!tpu.dma_semaphore, #tpu.memory_space<semaphore_mem>>) src(%dma_wait3A_930 : memref<128x128xf32, #tpu.memory_space<vmem>>) dst(%dma_wait3A_936 : memref<2048x128xf32, #tpu.memory_space<vmem_shared>>)
      %add3A_937 = arith.constant 1 : i32
      %add3A_938 = arith.addi %scan3A_741, %add3A_937 : i32
      %mul3A_939 = arith.constant 6 : i32
      %mul3A_940 = arith.muli %add3A_938, %mul3A_939 : i32
      %add3A_941 = arith.constant 3 : i32
      %add3A_942 = arith.addi %mul3A_940, %add3A_941 : i32
      %dma_start3A_943 = arith.constant 3 : i32
      %dma_start3A_944 = arith.constant 0 : i32
      %dma_start3A_945 = arith.constant 0 : i32
      %dma_start3A_946 = tpu.memref_slice %arg7[%dma_start3A_943, %dma_start3A_944, %dma_start3A_945] : memref<6x128x128xf32, #tpu.memory_space<vmem>> -> memref<1x128x128xf32, #tpu.memory_space<vmem>>
      %dma_start3A_947 = tpu.memref_squeeze %dma_start3A_946 : memref<1x128x128xf32, #tpu.memory_space<vmem>> -> memref<128x128xf32, #tpu.memory_space<vmem>>
      %dma_start3A_948 = arith.constant 0 : i32
      %dma_start3A_949 = tpu.memref_slice %arg5[%add3A_942, %dma_start3A_948] : memref<50x128xi32, #tpu.memory_space<vmem>> -> memref<1x128xi32, #tpu.memory_space<vmem>>
      %dma_start3A_950 = tpu.memref_squeeze %dma_start3A_949 : memref<1x128xi32, #tpu.memory_space<vmem>> -> memref<128xi32, #tpu.memory_space<vmem>>
      %dma_start3A_951 = arith.constant 0 : i32
      %dma_start3A_952 = arith.constant 0 : i32
      %dma_start3A_953 = tpu.memref_slice %arg3[%dma_start3A_951, %dma_start3A_952] : memref<100000x128xf32, #tpu.memory_space<hbm>> -> memref<100000x128xf32, #tpu.memory_space<hbm>>
      tpu.enqueue_indirect_dma source(%dma_start3A_953 : memref<100000x128xf32, #tpu.memory_space<hbm>>) target(%dma_start3A_947 : memref<128x128xf32, #tpu.memory_space<vmem>>) offsets(%dma_start3A_950 : memref<128xi32, #tpu.memory_space<vmem>>) semaphore(%arg12 : memref<!tpu.dma_semaphore, #tpu.memory_space<semaphore_mem>>)
      %dma_wait3A_954 = arith.constant 0 : i32
      %dma_wait3A_955 = arith.constant 4 : i32
      %dma_wait3A_956 = arith.constant 0 : i32
      %dma_wait3A_957 = arith.constant 0 : i32
      %dma_wait3A_958 = tpu.memref_slice %arg7[%dma_wait3A_955, %dma_wait3A_956, %dma_wait3A_957] : memref<6x128x128xf32, #tpu.memory_space<vmem>> -> memref<1x128x128xf32, #tpu.memory_space<vmem>>
      %dma_wait3A_959 = tpu.memref_squeeze %dma_wait3A_958 : memref<1x128x128xf32, #tpu.memory_space<vmem>> -> memref<128x128xf32, #tpu.memory_space<vmem>>
      %dma_wait3A_960 = arith.constant 0 : i32
      %dma_wait3A_961 = tpu.memref_slice %arg5[%dma_wait3A_954, %dma_wait3A_960] : memref<50x128xi32, #tpu.memory_space<vmem>> -> memref<1x128xi32, #tpu.memory_space<vmem>>
      %dma_wait3A_962 = tpu.memref_squeeze %dma_wait3A_961 : memref<1x128xi32, #tpu.memory_space<vmem>> -> memref<128xi32, #tpu.memory_space<vmem>>
      %dma_wait3A_963 = arith.constant 0 : i32
      %dma_wait3A_964 = arith.constant 0 : i32
      %dma_wait3A_965 = tpu.memref_slice %arg3[%dma_wait3A_963, %dma_wait3A_964] : memref<100000x128xf32, #tpu.memory_space<hbm>> -> memref<100000x128xf32, #tpu.memory_space<hbm>>
      tpu.wait_indirect_dma semaphore(%arg13 : memref<!tpu.dma_semaphore, #tpu.memory_space<semaphore_mem>>) src(%dma_wait3A_965 : memref<100000x128xf32, #tpu.memory_space<hbm>>) dst(%dma_wait3A_959 : memref<128x128xf32, #tpu.memory_space<vmem>>)
      %dma_start3A_966 = arith.constant 4 : i32
      %dma_start3A_967 = arith.constant 0 : i32
      %dma_start3A_968 = arith.constant 0 : i32
      %dma_start3A_969 = arith.constant 0 : i32
      %dma_start3A_970 = tpu.memref_slice %arg7[%dma_start3A_966, %dma_start3A_968, %dma_start3A_969] : memref<6x128x128xf32, #tpu.memory_space<vmem>> -> memref<1x128x128xf32, #tpu.memory_space<vmem>>
      %dma_start3A_971 = tpu.memref_squeeze %dma_start3A_970 : memref<1x128x128xf32, #tpu.memory_space<vmem>> -> memref<128x128xf32, #tpu.memory_space<vmem>>
      %dma_start3A_972 = arith.constant 0 : i32
      %dma_start3A_973 = tpu.memref_slice %arg6[%dma_start3A_967, %dma_start3A_972] : memref<1x128xi32, #tpu.memory_space<vmem>> -> memref<1x128xi32, #tpu.memory_space<vmem>>
      %dma_start3A_974 = tpu.memref_squeeze %dma_start3A_973 : memref<1x128xi32, #tpu.memory_space<vmem>> -> memref<128xi32, #tpu.memory_space<vmem>>
      %dma_start3A_975 = arith.constant 0 : i32
      %dma_start3A_976 = arith.constant 0 : i32
      %dma_start3A_977 = tpu.memref_slice %arg8[%dma_start3A_975, %dma_start3A_976] : memref<2048x128xf32, #tpu.memory_space<vmem_shared>> -> memref<2048x128xf32, #tpu.memory_space<vmem_shared>>
      tpu.enqueue_indirect_dma source(%dma_start3A_971 : memref<128x128xf32, #tpu.memory_space<vmem>>) target(%dma_start3A_977 : memref<2048x128xf32, #tpu.memory_space<vmem_shared>>) offsets(%dma_start3A_974 : memref<128xi32, #tpu.memory_space<vmem>>) semaphore(%arg15 : memref<!tpu.dma_semaphore, #tpu.memory_space<semaphore_mem>>) {add = true}
      %dma_wait3A_978 = arith.constant 4 : i32
      %dma_wait3A_979 = arith.constant 0 : i32
      %dma_wait3A_980 = arith.constant 0 : i32
      %dma_wait3A_981 = arith.constant 0 : i32
      %dma_wait3A_982 = tpu.memref_slice %arg7[%dma_wait3A_978, %dma_wait3A_980, %dma_wait3A_981] : memref<6x128x128xf32, #tpu.memory_space<vmem>> -> memref<1x128x128xf32, #tpu.memory_space<vmem>>
      %dma_wait3A_983 = tpu.memref_squeeze %dma_wait3A_982 : memref<1x128x128xf32, #tpu.memory_space<vmem>> -> memref<128x128xf32, #tpu.memory_space<vmem>>
      %dma_wait3A_984 = arith.constant 0 : i32
      %dma_wait3A_985 = tpu.memref_slice %arg6[%dma_wait3A_979, %dma_wait3A_984] : memref<1x128xi32, #tpu.memory_space<vmem>> -> memref<1x128xi32, #tpu.memory_space<vmem>>
      %dma_wait3A_986 = tpu.memref_squeeze %dma_wait3A_985 : memref<1x128xi32, #tpu.memory_space<vmem>> -> memref<128xi32, #tpu.memory_space<vmem>>
      %dma_wait3A_987 = arith.constant 0 : i32
      %dma_wait3A_988 = arith.constant 0 : i32
      %dma_wait3A_989 = tpu.memref_slice %arg8[%dma_wait3A_987, %dma_wait3A_988] : memref<2048x128xf32, #tpu.memory_space<vmem_shared>> -> memref<2048x128xf32, #tpu.memory_space<vmem_shared>>
      tpu.wait_indirect_dma semaphore(%arg15 : memref<!tpu.dma_semaphore, #tpu.memory_space<semaphore_mem>>) src(%dma_wait3A_983 : memref<128x128xf32, #tpu.memory_space<vmem>>) dst(%dma_wait3A_989 : memref<2048x128xf32, #tpu.memory_space<vmem_shared>>)
      %add3A_990 = arith.constant 1 : i32
      %add3A_991 = arith.addi %scan3A_741, %add3A_990 : i32
      %mul3A_992 = arith.constant 6 : i32
      %mul3A_993 = arith.muli %add3A_991, %mul3A_992 : i32
      %add3A_994 = arith.constant 4 : i32
      %add3A_995 = arith.addi %mul3A_993, %add3A_994 : i32
      %dma_start3A_996 = arith.constant 4 : i32
      %dma_start3A_997 = arith.constant 0 : i32
      %dma_start3A_998 = arith.constant 0 : i32
      %dma_start3A_999 = tpu.memref_slice %arg7[%dma_start3A_996, %dma_start3A_997, %dma_start3A_998] : memref<6x128x128xf32, #tpu.memory_space<vmem>> -> memref<1x128x128xf32, #tpu.memory_space<vmem>>
      %dma_start3A_1000 = tpu.memref_squeeze %dma_start3A_999 : memref<1x128x128xf32, #tpu.memory_space<vmem>> -> memref<128x128xf32, #tpu.memory_space<vmem>>
      %dma_start3A_1001 = arith.constant 0 : i32
      %dma_start3A_1002 = tpu.memref_slice %arg5[%add3A_995, %dma_start3A_1001] : memref<50x128xi32, #tpu.memory_space<vmem>> -> memref<1x128xi32, #tpu.memory_space<vmem>>
      %dma_start3A_1003 = tpu.memref_squeeze %dma_start3A_1002 : memref<1x128xi32, #tpu.memory_space<vmem>> -> memref<128xi32, #tpu.memory_space<vmem>>
      %dma_start3A_1004 = arith.constant 0 : i32
      %dma_start3A_1005 = arith.constant 0 : i32
      %dma_start3A_1006 = tpu.memref_slice %arg3[%dma_start3A_1004, %dma_start3A_1005] : memref<100000x128xf32, #tpu.memory_space<hbm>> -> memref<100000x128xf32, #tpu.memory_space<hbm>>
      tpu.enqueue_indirect_dma source(%dma_start3A_1006 : memref<100000x128xf32, #tpu.memory_space<hbm>>) target(%dma_start3A_1000 : memref<128x128xf32, #tpu.memory_space<vmem>>) offsets(%dma_start3A_1003 : memref<128xi32, #tpu.memory_space<vmem>>) semaphore(%arg13 : memref<!tpu.dma_semaphore, #tpu.memory_space<semaphore_mem>>)
      %dma_wait3A_1007 = arith.constant 0 : i32
      %dma_wait3A_1008 = arith.constant 5 : i32
      %dma_wait3A_1009 = arith.constant 0 : i32
      %dma_wait3A_1010 = arith.constant 0 : i32
      %dma_wait3A_1011 = tpu.memref_slice %arg7[%dma_wait3A_1008, %dma_wait3A_1009, %dma_wait3A_1010] : memref<6x128x128xf32, #tpu.memory_space<vmem>> -> memref<1x128x128xf32, #tpu.memory_space<vmem>>
      %dma_wait3A_1012 = tpu.memref_squeeze %dma_wait3A_1011 : memref<1x128x128xf32, #tpu.memory_space<vmem>> -> memref<128x128xf32, #tpu.memory_space<vmem>>
      %dma_wait3A_1013 = arith.constant 0 : i32
      %dma_wait3A_1014 = tpu.memref_slice %arg5[%dma_wait3A_1007, %dma_wait3A_1013] : memref<50x128xi32, #tpu.memory_space<vmem>> -> memref<1x128xi32, #tpu.memory_space<vmem>>
      %dma_wait3A_1015 = tpu.memref_squeeze %dma_wait3A_1014 : memref<1x128xi32, #tpu.memory_space<vmem>> -> memref<128xi32, #tpu.memory_space<vmem>>
      %dma_wait3A_1016 = arith.constant 0 : i32
      %dma_wait3A_1017 = arith.constant 0 : i32
      %dma_wait3A_1018 = tpu.memref_slice %arg3[%dma_wait3A_1016, %dma_wait3A_1017] : memref<100000x128xf32, #tpu.memory_space<hbm>> -> memref<100000x128xf32, #tpu.memory_space<hbm>>
      tpu.wait_indirect_dma semaphore(%arg14 : memref<!tpu.dma_semaphore, #tpu.memory_space<semaphore_mem>>) src(%dma_wait3A_1018 : memref<100000x128xf32, #tpu.memory_space<hbm>>) dst(%dma_wait3A_1012 : memref<128x128xf32, #tpu.memory_space<vmem>>)
      %dma_start3A_1019 = arith.constant 5 : i32
      %dma_start3A_1020 = arith.constant 0 : i32
      %dma_start3A_1021 = arith.constant 0 : i32
      %dma_start3A_1022 = arith.constant 0 : i32
      %dma_start3A_1023 = tpu.memref_slice %arg7[%dma_start3A_1019, %dma_start3A_1021, %dma_start3A_1022] : memref<6x128x128xf32, #tpu.memory_space<vmem>> -> memref<1x128x128xf32, #tpu.memory_space<vmem>>
      %dma_start3A_1024 = tpu.memref_squeeze %dma_start3A_1023 : memref<1x128x128xf32, #tpu.memory_space<vmem>> -> memref<128x128xf32, #tpu.memory_space<vmem>>
      %dma_start3A_1025 = arith.constant 0 : i32
      %dma_start3A_1026 = tpu.memref_slice %arg6[%dma_start3A_1020, %dma_start3A_1025] : memref<1x128xi32, #tpu.memory_space<vmem>> -> memref<1x128xi32, #tpu.memory_space<vmem>>
      %dma_start3A_1027 = tpu.memref_squeeze %dma_start3A_1026 : memref<1x128xi32, #tpu.memory_space<vmem>> -> memref<128xi32, #tpu.memory_space<vmem>>
      %dma_start3A_1028 = arith.constant 0 : i32
      %dma_start3A_1029 = arith.constant 0 : i32
      %dma_start3A_1030 = tpu.memref_slice %arg8[%dma_start3A_1028, %dma_start3A_1029] : memref<2048x128xf32, #tpu.memory_space<vmem_shared>> -> memref<2048x128xf32, #tpu.memory_space<vmem_shared>>
      tpu.enqueue_indirect_dma source(%dma_start3A_1024 : memref<128x128xf32, #tpu.memory_space<vmem>>) target(%dma_start3A_1030 : memref<2048x128xf32, #tpu.memory_space<vmem_shared>>) offsets(%dma_start3A_1027 : memref<128xi32, #tpu.memory_space<vmem>>) semaphore(%arg15 : memref<!tpu.dma_semaphore, #tpu.memory_space<semaphore_mem>>) {add = true}
      %dma_wait3A_1031 = arith.constant 5 : i32
      %dma_wait3A_1032 = arith.constant 0 : i32
      %dma_wait3A_1033 = arith.constant 0 : i32
      %dma_wait3A_1034 = arith.constant 0 : i32
      %dma_wait3A_1035 = tpu.memref_slice %arg7[%dma_wait3A_1031, %dma_wait3A_1033, %dma_wait3A_1034] : memref<6x128x128xf32, #tpu.memory_space<vmem>> -> memref<1x128x128xf32, #tpu.memory_space<vmem>>
      %dma_wait3A_1036 = tpu.memref_squeeze %dma_wait3A_1035 : memref<1x128x128xf32, #tpu.memory_space<vmem>> -> memref<128x128xf32, #tpu.memory_space<vmem>>
      %dma_wait3A_1037 = arith.constant 0 : i32
      %dma_wait3A_1038 = tpu.memref_slice %arg6[%dma_wait3A_1032, %dma_wait3A_1037] : memref<1x128xi32, #tpu.memory_space<vmem>> -> memref<1x128xi32, #tpu.memory_space<vmem>>
      %dma_wait3A_1039 = tpu.memref_squeeze %dma_wait3A_1038 : memref<1x128xi32, #tpu.memory_space<vmem>> -> memref<128xi32, #tpu.memory_space<vmem>>
      %dma_wait3A_1040 = arith.constant 0 : i32
      %dma_wait3A_1041 = arith.constant 0 : i32
      %dma_wait3A_1042 = tpu.memref_slice %arg8[%dma_wait3A_1040, %dma_wait3A_1041] : memref<2048x128xf32, #tpu.memory_space<vmem_shared>> -> memref<2048x128xf32, #tpu.memory_space<vmem_shared>>
      tpu.wait_indirect_dma semaphore(%arg15 : memref<!tpu.dma_semaphore, #tpu.memory_space<semaphore_mem>>) src(%dma_wait3A_1036 : memref<128x128xf32, #tpu.memory_space<vmem>>) dst(%dma_wait3A_1042 : memref<2048x128xf32, #tpu.memory_space<vmem_shared>>)
      %add3A_1043 = arith.constant 1 : i32
      %add3A_1044 = arith.addi %scan3A_741, %add3A_1043 : i32
      %mul3A_1045 = arith.constant 6 : i32
      %mul3A_1046 = arith.muli %add3A_1044, %mul3A_1045 : i32
      %add3A_1047 = arith.constant 5 : i32
      %add3A_1048 = arith.addi %mul3A_1046, %add3A_1047 : i32
      %dma_start3A_1049 = arith.constant 5 : i32
      %dma_start3A_1050 = arith.constant 0 : i32
      %dma_start3A_1051 = arith.constant 0 : i32
      %dma_start3A_1052 = tpu.memref_slice %arg7[%dma_start3A_1049, %dma_start3A_1050, %dma_start3A_1051] : memref<6x128x128xf32, #tpu.memory_space<vmem>> -> memref<1x128x128xf32, #tpu.memory_space<vmem>>
      %dma_start3A_1053 = tpu.memref_squeeze %dma_start3A_1052 : memref<1x128x128xf32, #tpu.memory_space<vmem>> -> memref<128x128xf32, #tpu.memory_space<vmem>>
      %dma_start3A_1054 = arith.constant 0 : i32
      %dma_start3A_1055 = tpu.memref_slice %arg5[%add3A_1048, %dma_start3A_1054] : memref<50x128xi32, #tpu.memory_space<vmem>> -> memref<1x128xi32, #tpu.memory_space<vmem>>
      %dma_start3A_1056 = tpu.memref_squeeze %dma_start3A_1055 : memref<1x128xi32, #tpu.memory_space<vmem>> -> memref<128xi32, #tpu.memory_space<vmem>>
      %dma_start3A_1057 = arith.constant 0 : i32
      %dma_start3A_1058 = arith.constant 0 : i32
      %dma_start3A_1059 = tpu.memref_slice %arg3[%dma_start3A_1057, %dma_start3A_1058] : memref<100000x128xf32, #tpu.memory_space<hbm>> -> memref<100000x128xf32, #tpu.memory_space<hbm>>
      tpu.enqueue_indirect_dma source(%dma_start3A_1059 : memref<100000x128xf32, #tpu.memory_space<hbm>>) target(%dma_start3A_1053 : memref<128x128xf32, #tpu.memory_space<vmem>>) offsets(%dma_start3A_1056 : memref<128xi32, #tpu.memory_space<vmem>>) semaphore(%arg14 : memref<!tpu.dma_semaphore, #tpu.memory_space<semaphore_mem>>)
    }
    %scan3A_428 = arith.constant 6 : i32
    %dma_wait3A_429 = arith.constant 0 : i32
    %dma_wait3A_430 = arith.constant 0 : i32
    %dma_wait3A_431 = arith.constant 0 : i32
    %dma_wait3A_432 = arith.constant 0 : i32
    %dma_wait3A_433 = tpu.memref_slice %arg7[%dma_wait3A_430, %dma_wait3A_431, %dma_wait3A_432] : memref<6x128x128xf32, #tpu.memory_space<vmem>> -> memref<1x128x128xf32, #tpu.memory_space<vmem>>
    %dma_wait3A_434 = tpu.memref_squeeze %dma_wait3A_433 : memref<1x128x128xf32, #tpu.memory_space<vmem>> -> memref<128x128xf32, #tpu.memory_space<vmem>>
    %dma_wait3A_435 = arith.constant 0 : i32
    %dma_wait3A_436 = tpu.memref_slice %arg5[%dma_wait3A_429, %dma_wait3A_435] : memref<50x128xi32, #tpu.memory_space<vmem>> -> memref<1x128xi32, #tpu.memory_space<vmem>>
    %dma_wait3A_437 = tpu.memref_squeeze %dma_wait3A_436 : memref<1x128xi32, #tpu.memory_space<vmem>> -> memref<128xi32, #tpu.memory_space<vmem>>
    %dma_wait3A_438 = arith.constant 0 : i32
    %dma_wait3A_439 = arith.constant 0 : i32
    %dma_wait3A_440 = tpu.memref_slice %arg3[%dma_wait3A_438, %dma_wait3A_439] : memref<100000x128xf32, #tpu.memory_space<hbm>> -> memref<100000x128xf32, #tpu.memory_space<hbm>>
    tpu.wait_indirect_dma semaphore(%arg9 : memref<!tpu.dma_semaphore, #tpu.memory_space<semaphore_mem>>) src(%dma_wait3A_440 : memref<100000x128xf32, #tpu.memory_space<hbm>>) dst(%dma_wait3A_434 : memref<128x128xf32, #tpu.memory_space<vmem>>)
    %dma_start3A_441 = arith.constant 0 : i32
    %dma_start3A_442 = arith.constant 0 : i32
    %dma_start3A_443 = arith.constant 0 : i32
    %dma_start3A_444 = arith.constant 0 : i32
    %dma_start3A_445 = tpu.memref_slice %arg7[%dma_start3A_441, %dma_start3A_443, %dma_start3A_444] : memref<6x128x128xf32, #tpu.memory_space<vmem>> -> memref<1x128x128xf32, #tpu.memory_space<vmem>>
    %dma_start3A_446 = tpu.memref_squeeze %dma_start3A_445 : memref<1x128x128xf32, #tpu.memory_space<vmem>> -> memref<128x128xf32, #tpu.memory_space<vmem>>
    %dma_start3A_447 = arith.constant 0 : i32
    %dma_start3A_448 = tpu.memref_slice %arg6[%dma_start3A_442, %dma_start3A_447] : memref<1x128xi32, #tpu.memory_space<vmem>> -> memref<1x128xi32, #tpu.memory_space<vmem>>
    %dma_start3A_449 = tpu.memref_squeeze %dma_start3A_448 : memref<1x128xi32, #tpu.memory_space<vmem>> -> memref<128xi32, #tpu.memory_space<vmem>>
    %dma_start3A_450 = arith.constant 0 : i32
    %dma_start3A_451 = arith.constant 0 : i32
    %dma_start3A_452 = tpu.memref_slice %arg8[%dma_start3A_450, %dma_start3A_451] : memref<2048x128xf32, #tpu.memory_space<vmem_shared>> -> memref<2048x128xf32, #tpu.memory_space<vmem_shared>>
    tpu.enqueue_indirect_dma source(%dma_start3A_446 : memref<128x128xf32, #tpu.memory_space<vmem>>) target(%dma_start3A_452 : memref<2048x128xf32, #tpu.memory_space<vmem_shared>>) offsets(%dma_start3A_449 : memref<128xi32, #tpu.memory_space<vmem>>) semaphore(%arg15 : memref<!tpu.dma_semaphore, #tpu.memory_space<semaphore_mem>>) {add = true}
    %dma_wait3A_453 = arith.constant 0 : i32
    %dma_wait3A_454 = arith.constant 0 : i32
    %dma_wait3A_455 = arith.constant 0 : i32
    %dma_wait3A_456 = arith.constant 0 : i32
    %dma_wait3A_457 = tpu.memref_slice %arg7[%dma_wait3A_453, %dma_wait3A_455, %dma_wait3A_456] : memref<6x128x128xf32, #tpu.memory_space<vmem>> -> memref<1x128x128xf32, #tpu.memory_space<vmem>>
    %dma_wait3A_458 = tpu.memref_squeeze %dma_wait3A_457 : memref<1x128x128xf32, #tpu.memory_space<vmem>> -> memref<128x128xf32, #tpu.memory_space<vmem>>
    %dma_wait3A_459 = arith.constant 0 : i32
    %dma_wait3A_460 = tpu.memref_slice %arg6[%dma_wait3A_454, %dma_wait3A_459] : memref<1x128xi32, #tpu.memory_space<vmem>> -> memref<1x128xi32, #tpu.memory_space<vmem>>
    %dma_wait3A_461 = tpu.memref_squeeze %dma_wait3A_460 : memref<1x128xi32, #tpu.memory_space<vmem>> -> memref<128xi32, #tpu.memory_space<vmem>>
    %dma_wait3A_462 = arith.constant 0 : i32
    %dma_wait3A_463 = arith.constant 0 : i32
    %dma_wait3A_464 = tpu.memref_slice %arg8[%dma_wait3A_462, %dma_wait3A_463] : memref<2048x128xf32, #tpu.memory_space<vmem_shared>> -> memref<2048x128xf32, #tpu.memory_space<vmem_shared>>
    tpu.wait_indirect_dma semaphore(%arg15 : memref<!tpu.dma_semaphore, #tpu.memory_space<semaphore_mem>>) src(%dma_wait3A_458 : memref<128x128xf32, #tpu.memory_space<vmem>>) dst(%dma_wait3A_464 : memref<2048x128xf32, #tpu.memory_space<vmem_shared>>)
    %dma_start3A_465 = arith.constant 48 : i32
    %dma_start3A_466 = arith.constant 0 : i32
    %dma_start3A_467 = arith.constant 0 : i32
    %dma_start3A_468 = arith.constant 0 : i32
    %dma_start3A_469 = tpu.memref_slice %arg7[%dma_start3A_466, %dma_start3A_467, %dma_start3A_468] : memref<6x128x128xf32, #tpu.memory_space<vmem>> -> memref<1x128x128xf32, #tpu.memory_space<vmem>>
    %dma_start3A_470 = tpu.memref_squeeze %dma_start3A_469 : memref<1x128x128xf32, #tpu.memory_space<vmem>> -> memref<128x128xf32, #tpu.memory_space<vmem>>
    %dma_start3A_471 = arith.constant 0 : i32
    %dma_start3A_472 = tpu.memref_slice %arg5[%dma_start3A_465, %dma_start3A_471] : memref<50x128xi32, #tpu.memory_space<vmem>> -> memref<1x128xi32, #tpu.memory_space<vmem>>
    %dma_start3A_473 = tpu.memref_squeeze %dma_start3A_472 : memref<1x128xi32, #tpu.memory_space<vmem>> -> memref<128xi32, #tpu.memory_space<vmem>>
    %dma_start3A_474 = arith.constant 0 : i32
    %dma_start3A_475 = arith.constant 0 : i32
    %dma_start3A_476 = tpu.memref_slice %arg3[%dma_start3A_474, %dma_start3A_475] : memref<100000x128xf32, #tpu.memory_space<hbm>> -> memref<100000x128xf32, #tpu.memory_space<hbm>>
    tpu.enqueue_indirect_dma source(%dma_start3A_476 : memref<100000x128xf32, #tpu.memory_space<hbm>>) target(%dma_start3A_470 : memref<128x128xf32, #tpu.memory_space<vmem>>) offsets(%dma_start3A_473 : memref<128xi32, #tpu.memory_space<vmem>>) semaphore(%arg9 : memref<!tpu.dma_semaphore, #tpu.memory_space<semaphore_mem>>)
    %dma_wait3A_477 = arith.constant 0 : i32
    %dma_wait3A_478 = arith.constant 1 : i32
    %dma_wait3A_479 = arith.constant 0 : i32
    %dma_wait3A_480 = arith.constant 0 : i32
    %dma_wait3A_481 = tpu.memref_slice %arg7[%dma_wait3A_478, %dma_wait3A_479, %dma_wait3A_480] : memref<6x128x128xf32, #tpu.memory_space<vmem>> -> memref<1x128x128xf32, #tpu.memory_space<vmem>>
    %dma_wait3A_482 = tpu.memref_squeeze %dma_wait3A_481 : memref<1x128x128xf32, #tpu.memory_space<vmem>> -> memref<128x128xf32, #tpu.memory_space<vmem>>
    %dma_wait3A_483 = arith.constant 0 : i32
    %dma_wait3A_484 = tpu.memref_slice %arg5[%dma_wait3A_477, %dma_wait3A_483] : memref<50x128xi32, #tpu.memory_space<vmem>> -> memref<1x128xi32, #tpu.memory_space<vmem>>
    %dma_wait3A_485 = tpu.memref_squeeze %dma_wait3A_484 : memref<1x128xi32, #tpu.memory_space<vmem>> -> memref<128xi32, #tpu.memory_space<vmem>>
    %dma_wait3A_486 = arith.constant 0 : i32
    %dma_wait3A_487 = arith.constant 0 : i32
    %dma_wait3A_488 = tpu.memref_slice %arg3[%dma_wait3A_486, %dma_wait3A_487] : memref<100000x128xf32, #tpu.memory_space<hbm>> -> memref<100000x128xf32, #tpu.memory_space<hbm>>
    tpu.wait_indirect_dma semaphore(%arg10 : memref<!tpu.dma_semaphore, #tpu.memory_space<semaphore_mem>>) src(%dma_wait3A_488 : memref<100000x128xf32, #tpu.memory_space<hbm>>) dst(%dma_wait3A_482 : memref<128x128xf32, #tpu.memory_space<vmem>>)
    %dma_start3A_489 = arith.constant 1 : i32
    %dma_start3A_490 = arith.constant 0 : i32
    %dma_start3A_491 = arith.constant 0 : i32
    %dma_start3A_492 = arith.constant 0 : i32
    %dma_start3A_493 = tpu.memref_slice %arg7[%dma_start3A_489, %dma_start3A_491, %dma_start3A_492] : memref<6x128x128xf32, #tpu.memory_space<vmem>> -> memref<1x128x128xf32, #tpu.memory_space<vmem>>
    %dma_start3A_494 = tpu.memref_squeeze %dma_start3A_493 : memref<1x128x128xf32, #tpu.memory_space<vmem>> -> memref<128x128xf32, #tpu.memory_space<vmem>>
    %dma_start3A_495 = arith.constant 0 : i32
    %dma_start3A_496 = tpu.memref_slice %arg6[%dma_start3A_490, %dma_start3A_495] : memref<1x128xi32, #tpu.memory_space<vmem>> -> memref<1x128xi32, #tpu.memory_space<vmem>>
    %dma_start3A_497 = tpu.memref_squeeze %dma_start3A_496 : memref<1x128xi32, #tpu.memory_space<vmem>> -> memref<128xi32, #tpu.memory_space<vmem>>
    %dma_start3A_498 = arith.constant 0 : i32
    %dma_start3A_499 = arith.constant 0 : i32
    %dma_start3A_500 = tpu.memref_slice %arg8[%dma_start3A_498, %dma_start3A_499] : memref<2048x128xf32, #tpu.memory_space<vmem_shared>> -> memref<2048x128xf32, #tpu.memory_space<vmem_shared>>
    tpu.enqueue_indirect_dma source(%dma_start3A_494 : memref<128x128xf32, #tpu.memory_space<vmem>>) target(%dma_start3A_500 : memref<2048x128xf32, #tpu.memory_space<vmem_shared>>) offsets(%dma_start3A_497 : memref<128xi32, #tpu.memory_space<vmem>>) semaphore(%arg15 : memref<!tpu.dma_semaphore, #tpu.memory_space<semaphore_mem>>) {add = true}
    %dma_wait3A_501 = arith.constant 1 : i32
    %dma_wait3A_502 = arith.constant 0 : i32
    %dma_wait3A_503 = arith.constant 0 : i32
    %dma_wait3A_504 = arith.constant 0 : i32
    %dma_wait3A_505 = tpu.memref_slice %arg7[%dma_wait3A_501, %dma_wait3A_503, %dma_wait3A_504] : memref<6x128x128xf32, #tpu.memory_space<vmem>> -> memref<1x128x128xf32, #tpu.memory_space<vmem>>
    %dma_wait3A_506 = tpu.memref_squeeze %dma_wait3A_505 : memref<1x128x128xf32, #tpu.memory_space<vmem>> -> memref<128x128xf32, #tpu.memory_space<vmem>>
    %dma_wait3A_507 = arith.constant 0 : i32
    %dma_wait3A_508 = tpu.memref_slice %arg6[%dma_wait3A_502, %dma_wait3A_507] : memref<1x128xi32, #tpu.memory_space<vmem>> -> memref<1x128xi32, #tpu.memory_space<vmem>>
    %dma_wait3A_509 = tpu.memref_squeeze %dma_wait3A_508 : memref<1x128xi32, #tpu.memory_space<vmem>> -> memref<128xi32, #tpu.memory_space<vmem>>
    %dma_wait3A_510 = arith.constant 0 : i32
    %dma_wait3A_511 = arith.constant 0 : i32
    %dma_wait3A_512 = tpu.memref_slice %arg8[%dma_wait3A_510, %dma_wait3A_511] : memref<2048x128xf32, #tpu.memory_space<vmem_shared>> -> memref<2048x128xf32, #tpu.memory_space<vmem_shared>>
    tpu.wait_indirect_dma semaphore(%arg15 : memref<!tpu.dma_semaphore, #tpu.memory_space<semaphore_mem>>) src(%dma_wait3A_506 : memref<128x128xf32, #tpu.memory_space<vmem>>) dst(%dma_wait3A_512 : memref<2048x128xf32, #tpu.memory_space<vmem_shared>>)
    %dma_start3A_513 = arith.constant 49 : i32
    %dma_start3A_514 = arith.constant 1 : i32
    %dma_start3A_515 = arith.constant 0 : i32
    %dma_start3A_516 = arith.constant 0 : i32
    %dma_start3A_517 = tpu.memref_slice %arg7[%dma_start3A_514, %dma_start3A_515, %dma_start3A_516] : memref<6x128x128xf32, #tpu.memory_space<vmem>> -> memref<1x128x128xf32, #tpu.memory_space<vmem>>
    %dma_start3A_518 = tpu.memref_squeeze %dma_start3A_517 : memref<1x128x128xf32, #tpu.memory_space<vmem>> -> memref<128x128xf32, #tpu.memory_space<vmem>>
    %dma_start3A_519 = arith.constant 0 : i32
    %dma_start3A_520 = tpu.memref_slice %arg5[%dma_start3A_513, %dma_start3A_519] : memref<50x128xi32, #tpu.memory_space<vmem>> -> memref<1x128xi32, #tpu.memory_space<vmem>>
    %dma_start3A_521 = tpu.memref_squeeze %dma_start3A_520 : memref<1x128xi32, #tpu.memory_space<vmem>> -> memref<128xi32, #tpu.memory_space<vmem>>
    %dma_start3A_522 = arith.constant 0 : i32
    %dma_start3A_523 = arith.constant 0 : i32
    %dma_start3A_524 = tpu.memref_slice %arg3[%dma_start3A_522, %dma_start3A_523] : memref<100000x128xf32, #tpu.memory_space<hbm>> -> memref<100000x128xf32, #tpu.memory_space<hbm>>
    tpu.enqueue_indirect_dma source(%dma_start3A_524 : memref<100000x128xf32, #tpu.memory_space<hbm>>) target(%dma_start3A_518 : memref<128x128xf32, #tpu.memory_space<vmem>>) offsets(%dma_start3A_521 : memref<128xi32, #tpu.memory_space<vmem>>) semaphore(%arg10 : memref<!tpu.dma_semaphore, #tpu.memory_space<semaphore_mem>>)
    %dma_wait3A_525 = arith.constant 0 : i32
    %dma_wait3A_526 = arith.constant 2 : i32
    %dma_wait3A_527 = arith.constant 0 : i32
    %dma_wait3A_528 = arith.constant 0 : i32
    %dma_wait3A_529 = tpu.memref_slice %arg7[%dma_wait3A_526, %dma_wait3A_527, %dma_wait3A_528] : memref<6x128x128xf32, #tpu.memory_space<vmem>> -> memref<1x128x128xf32, #tpu.memory_space<vmem>>
    %dma_wait3A_530 = tpu.memref_squeeze %dma_wait3A_529 : memref<1x128x128xf32, #tpu.memory_space<vmem>> -> memref<128x128xf32, #tpu.memory_space<vmem>>
    %dma_wait3A_531 = arith.constant 0 : i32
    %dma_wait3A_532 = tpu.memref_slice %arg5[%dma_wait3A_525, %dma_wait3A_531] : memref<50x128xi32, #tpu.memory_space<vmem>> -> memref<1x128xi32, #tpu.memory_space<vmem>>
    %dma_wait3A_533 = tpu.memref_squeeze %dma_wait3A_532 : memref<1x128xi32, #tpu.memory_space<vmem>> -> memref<128xi32, #tpu.memory_space<vmem>>
    %dma_wait3A_534 = arith.constant 0 : i32
    %dma_wait3A_535 = arith.constant 0 : i32
    %dma_wait3A_536 = tpu.memref_slice %arg3[%dma_wait3A_534, %dma_wait3A_535] : memref<100000x128xf32, #tpu.memory_space<hbm>> -> memref<100000x128xf32, #tpu.memory_space<hbm>>
    tpu.wait_indirect_dma semaphore(%arg11 : memref<!tpu.dma_semaphore, #tpu.memory_space<semaphore_mem>>) src(%dma_wait3A_536 : memref<100000x128xf32, #tpu.memory_space<hbm>>) dst(%dma_wait3A_530 : memref<128x128xf32, #tpu.memory_space<vmem>>)
    %dma_start3A_537 = arith.constant 2 : i32
    %dma_start3A_538 = arith.constant 0 : i32
    %dma_start3A_539 = arith.constant 0 : i32
    %dma_start3A_540 = arith.constant 0 : i32
    %dma_start3A_541 = tpu.memref_slice %arg7[%dma_start3A_537, %dma_start3A_539, %dma_start3A_540] : memref<6x128x128xf32, #tpu.memory_space<vmem>> -> memref<1x128x128xf32, #tpu.memory_space<vmem>>
    %dma_start3A_542 = tpu.memref_squeeze %dma_start3A_541 : memref<1x128x128xf32, #tpu.memory_space<vmem>> -> memref<128x128xf32, #tpu.memory_space<vmem>>
    %dma_start3A_543 = arith.constant 0 : i32
    %dma_start3A_544 = tpu.memref_slice %arg6[%dma_start3A_538, %dma_start3A_543] : memref<1x128xi32, #tpu.memory_space<vmem>> -> memref<1x128xi32, #tpu.memory_space<vmem>>
    %dma_start3A_545 = tpu.memref_squeeze %dma_start3A_544 : memref<1x128xi32, #tpu.memory_space<vmem>> -> memref<128xi32, #tpu.memory_space<vmem>>
    %dma_start3A_546 = arith.constant 0 : i32
    %dma_start3A_547 = arith.constant 0 : i32
    %dma_start3A_548 = tpu.memref_slice %arg8[%dma_start3A_546, %dma_start3A_547] : memref<2048x128xf32, #tpu.memory_space<vmem_shared>> -> memref<2048x128xf32, #tpu.memory_space<vmem_shared>>
    tpu.enqueue_indirect_dma source(%dma_start3A_542 : memref<128x128xf32, #tpu.memory_space<vmem>>) target(%dma_start3A_548 : memref<2048x128xf32, #tpu.memory_space<vmem_shared>>) offsets(%dma_start3A_545 : memref<128xi32, #tpu.memory_space<vmem>>) semaphore(%arg15 : memref<!tpu.dma_semaphore, #tpu.memory_space<semaphore_mem>>) {add = true}
    %dma_wait3A_549 = arith.constant 2 : i32
    %dma_wait3A_550 = arith.constant 0 : i32
    %dma_wait3A_551 = arith.constant 0 : i32
    %dma_wait3A_552 = arith.constant 0 : i32
    %dma_wait3A_553 = tpu.memref_slice %arg7[%dma_wait3A_549, %dma_wait3A_551, %dma_wait3A_552] : memref<6x128x128xf32, #tpu.memory_space<vmem>> -> memref<1x128x128xf32, #tpu.memory_space<vmem>>
    %dma_wait3A_554 = tpu.memref_squeeze %dma_wait3A_553 : memref<1x128x128xf32, #tpu.memory_space<vmem>> -> memref<128x128xf32, #tpu.memory_space<vmem>>
    %dma_wait3A_555 = arith.constant 0 : i32
    %dma_wait3A_556 = tpu.memref_slice %arg6[%dma_wait3A_550, %dma_wait3A_555] : memref<1x128xi32, #tpu.memory_space<vmem>> -> memref<1x128xi32, #tpu.memory_space<vmem>>
    %dma_wait3A_557 = tpu.memref_squeeze %dma_wait3A_556 : memref<1x128xi32, #tpu.memory_space<vmem>> -> memref<128xi32, #tpu.memory_space<vmem>>
    %dma_wait3A_558 = arith.constant 0 : i32
    %dma_wait3A_559 = arith.constant 0 : i32
    %dma_wait3A_560 = tpu.memref_slice %arg8[%dma_wait3A_558, %dma_wait3A_559] : memref<2048x128xf32, #tpu.memory_space<vmem_shared>> -> memref<2048x128xf32, #tpu.memory_space<vmem_shared>>
    tpu.wait_indirect_dma semaphore(%arg15 : memref<!tpu.dma_semaphore, #tpu.memory_space<semaphore_mem>>) src(%dma_wait3A_554 : memref<128x128xf32, #tpu.memory_space<vmem>>) dst(%dma_wait3A_560 : memref<2048x128xf32, #tpu.memory_space<vmem_shared>>)
    %dma_wait3A_561 = arith.constant 0 : i32
    %dma_wait3A_562 = arith.constant 3 : i32
    %dma_wait3A_563 = arith.constant 0 : i32
    %dma_wait3A_564 = arith.constant 0 : i32
    %dma_wait3A_565 = tpu.memref_slice %arg7[%dma_wait3A_562, %dma_wait3A_563, %dma_wait3A_564] : memref<6x128x128xf32, #tpu.memory_space<vmem>> -> memref<1x128x128xf32, #tpu.memory_space<vmem>>
    %dma_wait3A_566 = tpu.memref_squeeze %dma_wait3A_565 : memref<1x128x128xf32, #tpu.memory_space<vmem>> -> memref<128x128xf32, #tpu.memory_space<vmem>>
    %dma_wait3A_567 = arith.constant 0 : i32
    %dma_wait3A_568 = tpu.memref_slice %arg5[%dma_wait3A_561, %dma_wait3A_567] : memref<50x128xi32, #tpu.memory_space<vmem>> -> memref<1x128xi32, #tpu.memory_space<vmem>>
    %dma_wait3A_569 = tpu.memref_squeeze %dma_wait3A_568 : memref<1x128xi32, #tpu.memory_space<vmem>> -> memref<128xi32, #tpu.memory_space<vmem>>
    %dma_wait3A_570 = arith.constant 0 : i32
    %dma_wait3A_571 = arith.constant 0 : i32
    %dma_wait3A_572 = tpu.memref_slice %arg3[%dma_wait3A_570, %dma_wait3A_571] : memref<100000x128xf32, #tpu.memory_space<hbm>> -> memref<100000x128xf32, #tpu.memory_space<hbm>>
    tpu.wait_indirect_dma semaphore(%arg12 : memref<!tpu.dma_semaphore, #tpu.memory_space<semaphore_mem>>) src(%dma_wait3A_572 : memref<100000x128xf32, #tpu.memory_space<hbm>>) dst(%dma_wait3A_566 : memref<128x128xf32, #tpu.memory_space<vmem>>)
    %dma_start3A_573 = arith.constant 3 : i32
    %dma_start3A_574 = arith.constant 0 : i32
    %dma_start3A_575 = arith.constant 0 : i32
    %dma_start3A_576 = arith.constant 0 : i32
    %dma_start3A_577 = tpu.memref_slice %arg7[%dma_start3A_573, %dma_start3A_575, %dma_start3A_576] : memref<6x128x128xf32, #tpu.memory_space<vmem>> -> memref<1x128x128xf32, #tpu.memory_space<vmem>>
    %dma_start3A_578 = tpu.memref_squeeze %dma_start3A_577 : memref<1x128x128xf32, #tpu.memory_space<vmem>> -> memref<128x128xf32, #tpu.memory_space<vmem>>
    %dma_start3A_579 = arith.constant 0 : i32
    %dma_start3A_580 = tpu.memref_slice %arg6[%dma_start3A_574, %dma_start3A_579] : memref<1x128xi32, #tpu.memory_space<vmem>> -> memref<1x128xi32, #tpu.memory_space<vmem>>
    %dma_start3A_581 = tpu.memref_squeeze %dma_start3A_580 : memref<1x128xi32, #tpu.memory_space<vmem>> -> memref<128xi32, #tpu.memory_space<vmem>>
    %dma_start3A_582 = arith.constant 0 : i32
    %dma_start3A_583 = arith.constant 0 : i32
    %dma_start3A_584 = tpu.memref_slice %arg8[%dma_start3A_582, %dma_start3A_583] : memref<2048x128xf32, #tpu.memory_space<vmem_shared>> -> memref<2048x128xf32, #tpu.memory_space<vmem_shared>>
    tpu.enqueue_indirect_dma source(%dma_start3A_578 : memref<128x128xf32, #tpu.memory_space<vmem>>) target(%dma_start3A_584 : memref<2048x128xf32, #tpu.memory_space<vmem_shared>>) offsets(%dma_start3A_581 : memref<128xi32, #tpu.memory_space<vmem>>) semaphore(%arg15 : memref<!tpu.dma_semaphore, #tpu.memory_space<semaphore_mem>>) {add = true}
    %dma_wait3A_585 = arith.constant 3 : i32
    %dma_wait3A_586 = arith.constant 0 : i32
    %dma_wait3A_587 = arith.constant 0 : i32
    %dma_wait3A_588 = arith.constant 0 : i32
    %dma_wait3A_589 = tpu.memref_slice %arg7[%dma_wait3A_585, %dma_wait3A_587, %dma_wait3A_588] : memref<6x128x128xf32, #tpu.memory_space<vmem>> -> memref<1x128x128xf32, #tpu.memory_space<vmem>>
    %dma_wait3A_590 = tpu.memref_squeeze %dma_wait3A_589 : memref<1x128x128xf32, #tpu.memory_space<vmem>> -> memref<128x128xf32, #tpu.memory_space<vmem>>
    %dma_wait3A_591 = arith.constant 0 : i32
    %dma_wait3A_592 = tpu.memref_slice %arg6[%dma_wait3A_586, %dma_wait3A_591] : memref<1x128xi32, #tpu.memory_space<vmem>> -> memref<1x128xi32, #tpu.memory_space<vmem>>
    %dma_wait3A_593 = tpu.memref_squeeze %dma_wait3A_592 : memref<1x128xi32, #tpu.memory_space<vmem>> -> memref<128xi32, #tpu.memory_space<vmem>>
    %dma_wait3A_594 = arith.constant 0 : i32
    %dma_wait3A_595 = arith.constant 0 : i32
    %dma_wait3A_596 = tpu.memref_slice %arg8[%dma_wait3A_594, %dma_wait3A_595] : memref<2048x128xf32, #tpu.memory_space<vmem_shared>> -> memref<2048x128xf32, #tpu.memory_space<vmem_shared>>
    tpu.wait_indirect_dma semaphore(%arg15 : memref<!tpu.dma_semaphore, #tpu.memory_space<semaphore_mem>>) src(%dma_wait3A_590 : memref<128x128xf32, #tpu.memory_space<vmem>>) dst(%dma_wait3A_596 : memref<2048x128xf32, #tpu.memory_space<vmem_shared>>)
    %dma_wait3A_597 = arith.constant 0 : i32
    %dma_wait3A_598 = arith.constant 4 : i32
    %dma_wait3A_599 = arith.constant 0 : i32
    %dma_wait3A_600 = arith.constant 0 : i32
    %dma_wait3A_601 = tpu.memref_slice %arg7[%dma_wait3A_598, %dma_wait3A_599, %dma_wait3A_600] : memref<6x128x128xf32, #tpu.memory_space<vmem>> -> memref<1x128x128xf32, #tpu.memory_space<vmem>>
    %dma_wait3A_602 = tpu.memref_squeeze %dma_wait3A_601 : memref<1x128x128xf32, #tpu.memory_space<vmem>> -> memref<128x128xf32, #tpu.memory_space<vmem>>
    %dma_wait3A_603 = arith.constant 0 : i32
    %dma_wait3A_604 = tpu.memref_slice %arg5[%dma_wait3A_597, %dma_wait3A_603] : memref<50x128xi32, #tpu.memory_space<vmem>> -> memref<1x128xi32, #tpu.memory_space<vmem>>
    %dma_wait3A_605 = tpu.memref_squeeze %dma_wait3A_604 : memref<1x128xi32, #tpu.memory_space<vmem>> -> memref<128xi32, #tpu.memory_space<vmem>>
    %dma_wait3A_606 = arith.constant 0 : i32
    %dma_wait3A_607 = arith.constant 0 : i32
    %dma_wait3A_608 = tpu.memref_slice %arg3[%dma_wait3A_606, %dma_wait3A_607] : memref<100000x128xf32, #tpu.memory_space<hbm>> -> memref<100000x128xf32, #tpu.memory_space<hbm>>
    tpu.wait_indirect_dma semaphore(%arg13 : memref<!tpu.dma_semaphore, #tpu.memory_space<semaphore_mem>>) src(%dma_wait3A_608 : memref<100000x128xf32, #tpu.memory_space<hbm>>) dst(%dma_wait3A_602 : memref<128x128xf32, #tpu.memory_space<vmem>>)
    %dma_start3A_609 = arith.constant 4 : i32
    %dma_start3A_610 = arith.constant 0 : i32
    %dma_start3A_611 = arith.constant 0 : i32
    %dma_start3A_612 = arith.constant 0 : i32
    %dma_start3A_613 = tpu.memref_slice %arg7[%dma_start3A_609, %dma_start3A_611, %dma_start3A_612] : memref<6x128x128xf32, #tpu.memory_space<vmem>> -> memref<1x128x128xf32, #tpu.memory_space<vmem>>
    %dma_start3A_614 = tpu.memref_squeeze %dma_start3A_613 : memref<1x128x128xf32, #tpu.memory_space<vmem>> -> memref<128x128xf32, #tpu.memory_space<vmem>>
    %dma_start3A_615 = arith.constant 0 : i32
    %dma_start3A_616 = tpu.memref_slice %arg6[%dma_start3A_610, %dma_start3A_615] : memref<1x128xi32, #tpu.memory_space<vmem>> -> memref<1x128xi32, #tpu.memory_space<vmem>>
    %dma_start3A_617 = tpu.memref_squeeze %dma_start3A_616 : memref<1x128xi32, #tpu.memory_space<vmem>> -> memref<128xi32, #tpu.memory_space<vmem>>
    %dma_start3A_618 = arith.constant 0 : i32
    %dma_start3A_619 = arith.constant 0 : i32
    %dma_start3A_620 = tpu.memref_slice %arg8[%dma_start3A_618, %dma_start3A_619] : memref<2048x128xf32, #tpu.memory_space<vmem_shared>> -> memref<2048x128xf32, #tpu.memory_space<vmem_shared>>
    tpu.enqueue_indirect_dma source(%dma_start3A_614 : memref<128x128xf32, #tpu.memory_space<vmem>>) target(%dma_start3A_620 : memref<2048x128xf32, #tpu.memory_space<vmem_shared>>) offsets(%dma_start3A_617 : memref<128xi32, #tpu.memory_space<vmem>>) semaphore(%arg15 : memref<!tpu.dma_semaphore, #tpu.memory_space<semaphore_mem>>) {add = true}
    %dma_wait3A_621 = arith.constant 4 : i32
    %dma_wait3A_622 = arith.constant 0 : i32
    %dma_wait3A_623 = arith.constant 0 : i32
    %dma_wait3A_624 = arith.constant 0 : i32
    %dma_wait3A_625 = tpu.memref_slice %arg7[%dma_wait3A_621, %dma_wait3A_623, %dma_wait3A_624] : memref<6x128x128xf32, #tpu.memory_space<vmem>> -> memref<1x128x128xf32, #tpu.memory_space<vmem>>
    %dma_wait3A_626 = tpu.memref_squeeze %dma_wait3A_625 : memref<1x128x128xf32, #tpu.memory_space<vmem>> -> memref<128x128xf32, #tpu.memory_space<vmem>>
    %dma_wait3A_627 = arith.constant 0 : i32
    %dma_wait3A_628 = tpu.memref_slice %arg6[%dma_wait3A_622, %dma_wait3A_627] : memref<1x128xi32, #tpu.memory_space<vmem>> -> memref<1x128xi32, #tpu.memory_space<vmem>>
    %dma_wait3A_629 = tpu.memref_squeeze %dma_wait3A_628 : memref<1x128xi32, #tpu.memory_space<vmem>> -> memref<128xi32, #tpu.memory_space<vmem>>
    %dma_wait3A_630 = arith.constant 0 : i32
    %dma_wait3A_631 = arith.constant 0 : i32
    %dma_wait3A_632 = tpu.memref_slice %arg8[%dma_wait3A_630, %dma_wait3A_631] : memref<2048x128xf32, #tpu.memory_space<vmem_shared>> -> memref<2048x128xf32, #tpu.memory_space<vmem_shared>>
    tpu.wait_indirect_dma semaphore(%arg15 : memref<!tpu.dma_semaphore, #tpu.memory_space<semaphore_mem>>) src(%dma_wait3A_626 : memref<128x128xf32, #tpu.memory_space<vmem>>) dst(%dma_wait3A_632 : memref<2048x128xf32, #tpu.memory_space<vmem_shared>>)
    %dma_wait3A_633 = arith.constant 0 : i32
    %dma_wait3A_634 = arith.constant 5 : i32
    %dma_wait3A_635 = arith.constant 0 : i32
    %dma_wait3A_636 = arith.constant 0 : i32
    %dma_wait3A_637 = tpu.memref_slice %arg7[%dma_wait3A_634, %dma_wait3A_635, %dma_wait3A_636] : memref<6x128x128xf32, #tpu.memory_space<vmem>> -> memref<1x128x128xf32, #tpu.memory_space<vmem>>
    %dma_wait3A_638 = tpu.memref_squeeze %dma_wait3A_637 : memref<1x128x128xf32, #tpu.memory_space<vmem>> -> memref<128x128xf32, #tpu.memory_space<vmem>>
    %dma_wait3A_639 = arith.constant 0 : i32
    %dma_wait3A_640 = tpu.memref_slice %arg5[%dma_wait3A_633, %dma_wait3A_639] : memref<50x128xi32, #tpu.memory_space<vmem>> -> memref<1x128xi32, #tpu.memory_space<vmem>>
    %dma_wait3A_641 = tpu.memref_squeeze %dma_wait3A_640 : memref<1x128xi32, #tpu.memory_space<vmem>> -> memref<128xi32, #tpu.memory_space<vmem>>
    %dma_wait3A_642 = arith.constant 0 : i32
    %dma_wait3A_643 = arith.constant 0 : i32
    %dma_wait3A_644 = tpu.memref_slice %arg3[%dma_wait3A_642, %dma_wait3A_643] : memref<100000x128xf32, #tpu.memory_space<hbm>> -> memref<100000x128xf32, #tpu.memory_space<hbm>>
    tpu.wait_indirect_dma semaphore(%arg14 : memref<!tpu.dma_semaphore, #tpu.memory_space<semaphore_mem>>) src(%dma_wait3A_644 : memref<100000x128xf32, #tpu.memory_space<hbm>>) dst(%dma_wait3A_638 : memref<128x128xf32, #tpu.memory_space<vmem>>)
    %dma_start3A_645 = arith.constant 5 : i32
    %dma_start3A_646 = arith.constant 0 : i32
    %dma_start3A_647 = arith.constant 0 : i32
    %dma_start3A_648 = arith.constant 0 : i32
    %dma_start3A_649 = tpu.memref_slice %arg7[%dma_start3A_645, %dma_start3A_647, %dma_start3A_648] : memref<6x128x128xf32, #tpu.memory_space<vmem>> -> memref<1x128x128xf32, #tpu.memory_space<vmem>>
    %dma_start3A_650 = tpu.memref_squeeze %dma_start3A_649 : memref<1x128x128xf32, #tpu.memory_space<vmem>> -> memref<128x128xf32, #tpu.memory_space<vmem>>
    %dma_start3A_651 = arith.constant 0 : i32
    %dma_start3A_652 = tpu.memref_slice %arg6[%dma_start3A_646, %dma_start3A_651] : memref<1x128xi32, #tpu.memory_space<vmem>> -> memref<1x128xi32, #tpu.memory_space<vmem>>
    %dma_start3A_653 = tpu.memref_squeeze %dma_start3A_652 : memref<1x128xi32, #tpu.memory_space<vmem>> -> memref<128xi32, #tpu.memory_space<vmem>>
    %dma_start3A_654 = arith.constant 0 : i32
    %dma_start3A_655 = arith.constant 0 : i32
    %dma_start3A_656 = tpu.memref_slice %arg8[%dma_start3A_654, %dma_start3A_655] : memref<2048x128xf32, #tpu.memory_space<vmem_shared>> -> memref<2048x128xf32, #tpu.memory_space<vmem_shared>>
    tpu.enqueue_indirect_dma source(%dma_start3A_650 : memref<128x128xf32, #tpu.memory_space<vmem>>) target(%dma_start3A_656 : memref<2048x128xf32, #tpu.memory_space<vmem_shared>>) offsets(%dma_start3A_653 : memref<128xi32, #tpu.memory_space<vmem>>) semaphore(%arg15 : memref<!tpu.dma_semaphore, #tpu.memory_space<semaphore_mem>>) {add = true}
    %dma_wait3A_657 = arith.constant 5 : i32
    %dma_wait3A_658 = arith.constant 0 : i32
    %dma_wait3A_659 = arith.constant 0 : i32
    %dma_wait3A_660 = arith.constant 0 : i32
    %dma_wait3A_661 = tpu.memref_slice %arg7[%dma_wait3A_657, %dma_wait3A_659, %dma_wait3A_660] : memref<6x128x128xf32, #tpu.memory_space<vmem>> -> memref<1x128x128xf32, #tpu.memory_space<vmem>>
    %dma_wait3A_662 = tpu.memref_squeeze %dma_wait3A_661 : memref<1x128x128xf32, #tpu.memory_space<vmem>> -> memref<128x128xf32, #tpu.memory_space<vmem>>
    %dma_wait3A_663 = arith.constant 0 : i32
    %dma_wait3A_664 = tpu.memref_slice %arg6[%dma_wait3A_658, %dma_wait3A_663] : memref<1x128xi32, #tpu.memory_space<vmem>> -> memref<1x128xi32, #tpu.memory_space<vmem>>
    %dma_wait3A_665 = tpu.memref_squeeze %dma_wait3A_664 : memref<1x128xi32, #tpu.memory_space<vmem>> -> memref<128xi32, #tpu.memory_space<vmem>>
    %dma_wait3A_666 = arith.constant 0 : i32
    %dma_wait3A_667 = arith.constant 0 : i32
    %dma_wait3A_668 = tpu.memref_slice %arg8[%dma_wait3A_666, %dma_wait3A_667] : memref<2048x128xf32, #tpu.memory_space<vmem_shared>> -> memref<2048x128xf32, #tpu.memory_space<vmem_shared>>
    tpu.wait_indirect_dma semaphore(%arg15 : memref<!tpu.dma_semaphore, #tpu.memory_space<semaphore_mem>>) src(%dma_wait3A_662 : memref<128x128xf32, #tpu.memory_space<vmem>>) dst(%dma_wait3A_668 : memref<2048x128xf32, #tpu.memory_space<vmem_shared>>)
    %dma_wait3A_669 = arith.constant 0 : i32
    %dma_wait3A_670 = arith.constant 0 : i32
    %dma_wait3A_671 = arith.constant 0 : i32
    %dma_wait3A_672 = arith.constant 0 : i32
    %dma_wait3A_673 = tpu.memref_slice %arg7[%dma_wait3A_670, %dma_wait3A_671, %dma_wait3A_672] : memref<6x128x128xf32, #tpu.memory_space<vmem>> -> memref<1x128x128xf32, #tpu.memory_space<vmem>>
    %dma_wait3A_674 = tpu.memref_squeeze %dma_wait3A_673 : memref<1x128x128xf32, #tpu.memory_space<vmem>> -> memref<128x128xf32, #tpu.memory_space<vmem>>
    %dma_wait3A_675 = arith.constant 0 : i32
    %dma_wait3A_676 = tpu.memref_slice %arg5[%dma_wait3A_669, %dma_wait3A_675] : memref<50x128xi32, #tpu.memory_space<vmem>> -> memref<1x128xi32, #tpu.memory_space<vmem>>
    %dma_wait3A_677 = tpu.memref_squeeze %dma_wait3A_676 : memref<1x128xi32, #tpu.memory_space<vmem>> -> memref<128xi32, #tpu.memory_space<vmem>>
    %dma_wait3A_678 = arith.constant 0 : i32
    %dma_wait3A_679 = arith.constant 0 : i32
    %dma_wait3A_680 = tpu.memref_slice %arg3[%dma_wait3A_678, %dma_wait3A_679] : memref<100000x128xf32, #tpu.memory_space<hbm>> -> memref<100000x128xf32, #tpu.memory_space<hbm>>
    tpu.wait_indirect_dma semaphore(%arg9 : memref<!tpu.dma_semaphore, #tpu.memory_space<semaphore_mem>>) src(%dma_wait3A_680 : memref<100000x128xf32, #tpu.memory_space<hbm>>) dst(%dma_wait3A_674 : memref<128x128xf32, #tpu.memory_space<vmem>>)
    %dma_start3A_681 = arith.constant 0 : i32
    %dma_start3A_682 = arith.constant 0 : i32
    %dma_start3A_683 = arith.constant 0 : i32
    %dma_start3A_684 = arith.constant 0 : i32
    %dma_start3A_685 = tpu.memref_slice %arg7[%dma_start3A_681, %dma_start3A_683, %dma_start3A_684] : memref<6x128x128xf32, #tpu.memory_space<vmem>> -> memref<1x128x128xf32, #tpu.memory_space<vmem>>
    %dma_start3A_686 = tpu.memref_squeeze %dma_start3A_685 : memref<1x128x128xf32, #tpu.memory_space<vmem>> -> memref<128x128xf32, #tpu.memory_space<vmem>>
    %dma_start3A_687 = arith.constant 0 : i32
    %dma_start3A_688 = tpu.memref_slice %arg6[%dma_start3A_682, %dma_start3A_687] : memref<1x128xi32, #tpu.memory_space<vmem>> -> memref<1x128xi32, #tpu.memory_space<vmem>>
    %dma_start3A_689 = tpu.memref_squeeze %dma_start3A_688 : memref<1x128xi32, #tpu.memory_space<vmem>> -> memref<128xi32, #tpu.memory_space<vmem>>
    %dma_start3A_690 = arith.constant 0 : i32
    %dma_start3A_691 = arith.constant 0 : i32
    %dma_start3A_692 = tpu.memref_slice %arg8[%dma_start3A_690, %dma_start3A_691] : memref<2048x128xf32, #tpu.memory_space<vmem_shared>> -> memref<2048x128xf32, #tpu.memory_space<vmem_shared>>
    tpu.enqueue_indirect_dma source(%dma_start3A_686 : memref<128x128xf32, #tpu.memory_space<vmem>>) target(%dma_start3A_692 : memref<2048x128xf32, #tpu.memory_space<vmem_shared>>) offsets(%dma_start3A_689 : memref<128xi32, #tpu.memory_space<vmem>>) semaphore(%arg15 : memref<!tpu.dma_semaphore, #tpu.memory_space<semaphore_mem>>) {add = true}
    %dma_wait3A_693 = arith.constant 0 : i32
    %dma_wait3A_694 = arith.constant 0 : i32
    %dma_wait3A_695 = arith.constant 0 : i32
    %dma_wait3A_696 = arith.constant 0 : i32
    %dma_wait3A_697 = tpu.memref_slice %arg7[%dma_wait3A_693, %dma_wait3A_695, %dma_wait3A_696] : memref<6x128x128xf32, #tpu.memory_space<vmem>> -> memref<1x128x128xf32, #tpu.memory_space<vmem>>
    %dma_wait3A_698 = tpu.memref_squeeze %dma_wait3A_697 : memref<1x128x128xf32, #tpu.memory_space<vmem>> -> memref<128x128xf32, #tpu.memory_space<vmem>>
    %dma_wait3A_699 = arith.constant 0 : i32
    %dma_wait3A_700 = tpu.memref_slice %arg6[%dma_wait3A_694, %dma_wait3A_699] : memref<1x128xi32, #tpu.memory_space<vmem>> -> memref<1x128xi32, #tpu.memory_space<vmem>>
    %dma_wait3A_701 = tpu.memref_squeeze %dma_wait3A_700 : memref<1x128xi32, #tpu.memory_space<vmem>> -> memref<128xi32, #tpu.memory_space<vmem>>
    %dma_wait3A_702 = arith.constant 0 : i32
    %dma_wait3A_703 = arith.constant 0 : i32
    %dma_wait3A_704 = tpu.memref_slice %arg8[%dma_wait3A_702, %dma_wait3A_703] : memref<2048x128xf32, #tpu.memory_space<vmem_shared>> -> memref<2048x128xf32, #tpu.memory_space<vmem_shared>>
    tpu.wait_indirect_dma semaphore(%arg15 : memref<!tpu.dma_semaphore, #tpu.memory_space<semaphore_mem>>) src(%dma_wait3A_698 : memref<128x128xf32, #tpu.memory_space<vmem>>) dst(%dma_wait3A_704 : memref<2048x128xf32, #tpu.memory_space<vmem_shared>>)
    %dma_wait3A_705 = arith.constant 0 : i32
    %dma_wait3A_706 = arith.constant 1 : i32
    %dma_wait3A_707 = arith.constant 0 : i32
    %dma_wait3A_708 = arith.constant 0 : i32
    %dma_wait3A_709 = tpu.memref_slice %arg7[%dma_wait3A_706, %dma_wait3A_707, %dma_wait3A_708] : memref<6x128x128xf32, #tpu.memory_space<vmem>> -> memref<1x128x128xf32, #tpu.memory_space<vmem>>
    %dma_wait3A_710 = tpu.memref_squeeze %dma_wait3A_709 : memref<1x128x128xf32, #tpu.memory_space<vmem>> -> memref<128x128xf32, #tpu.memory_space<vmem>>
    %dma_wait3A_711 = arith.constant 0 : i32
    %dma_wait3A_712 = tpu.memref_slice %arg5[%dma_wait3A_705, %dma_wait3A_711] : memref<50x128xi32, #tpu.memory_space<vmem>> -> memref<1x128xi32, #tpu.memory_space<vmem>>
    %dma_wait3A_713 = tpu.memref_squeeze %dma_wait3A_712 : memref<1x128xi32, #tpu.memory_space<vmem>> -> memref<128xi32, #tpu.memory_space<vmem>>
    %dma_wait3A_714 = arith.constant 0 : i32
    %dma_wait3A_715 = arith.constant 0 : i32
    %dma_wait3A_716 = tpu.memref_slice %arg3[%dma_wait3A_714, %dma_wait3A_715] : memref<100000x128xf32, #tpu.memory_space<hbm>> -> memref<100000x128xf32, #tpu.memory_space<hbm>>
    tpu.wait_indirect_dma semaphore(%arg10 : memref<!tpu.dma_semaphore, #tpu.memory_space<semaphore_mem>>) src(%dma_wait3A_716 : memref<100000x128xf32, #tpu.memory_space<hbm>>) dst(%dma_wait3A_710 : memref<128x128xf32, #tpu.memory_space<vmem>>)
    %dma_start3A_717 = arith.constant 1 : i32
    %dma_start3A_718 = arith.constant 0 : i32
    %dma_start3A_719 = arith.constant 0 : i32
    %dma_start3A_720 = arith.constant 0 : i32
    %dma_start3A_721 = tpu.memref_slice %arg7[%dma_start3A_717, %dma_start3A_719, %dma_start3A_720] : memref<6x128x128xf32, #tpu.memory_space<vmem>> -> memref<1x128x128xf32, #tpu.memory_space<vmem>>
    %dma_start3A_722 = tpu.memref_squeeze %dma_start3A_721 : memref<1x128x128xf32, #tpu.memory_space<vmem>> -> memref<128x128xf32, #tpu.memory_space<vmem>>
    %dma_start3A_723 = arith.constant 0 : i32
    %dma_start3A_724 = tpu.memref_slice %arg6[%dma_start3A_718, %dma_start3A_723] : memref<1x128xi32, #tpu.memory_space<vmem>> -> memref<1x128xi32, #tpu.memory_space<vmem>>
    %dma_start3A_725 = tpu.memref_squeeze %dma_start3A_724 : memref<1x128xi32, #tpu.memory_space<vmem>> -> memref<128xi32, #tpu.memory_space<vmem>>
    %dma_start3A_726 = arith.constant 0 : i32
    %dma_start3A_727 = arith.constant 0 : i32
    %dma_start3A_728 = tpu.memref_slice %arg8[%dma_start3A_726, %dma_start3A_727] : memref<2048x128xf32, #tpu.memory_space<vmem_shared>> -> memref<2048x128xf32, #tpu.memory_space<vmem_shared>>
    tpu.enqueue_indirect_dma source(%dma_start3A_722 : memref<128x128xf32, #tpu.memory_space<vmem>>) target(%dma_start3A_728 : memref<2048x128xf32, #tpu.memory_space<vmem_shared>>) offsets(%dma_start3A_725 : memref<128xi32, #tpu.memory_space<vmem>>) semaphore(%arg15 : memref<!tpu.dma_semaphore, #tpu.memory_space<semaphore_mem>>) {add = true}
    %dma_wait3A_729 = arith.constant 1 : i32
    %dma_wait3A_730 = arith.constant 0 : i32
    %dma_wait3A_731 = arith.constant 0 : i32
    %dma_wait3A_732 = arith.constant 0 : i32
    %dma_wait3A_733 = tpu.memref_slice %arg7[%dma_wait3A_729, %dma_wait3A_731, %dma_wait3A_732] : memref<6x128x128xf32, #tpu.memory_space<vmem>> -> memref<1x128x128xf32, #tpu.memory_space<vmem>>
    %dma_wait3A_734 = tpu.memref_squeeze %dma_wait3A_733 : memref<1x128x128xf32, #tpu.memory_space<vmem>> -> memref<128x128xf32, #tpu.memory_space<vmem>>
    %dma_wait3A_735 = arith.constant 0 : i32
    %dma_wait3A_736 = tpu.memref_slice %arg6[%dma_wait3A_730, %dma_wait3A_735] : memref<1x128xi32, #tpu.memory_space<vmem>> -> memref<1x128xi32, #tpu.memory_space<vmem>>
    %dma_wait3A_737 = tpu.memref_squeeze %dma_wait3A_736 : memref<1x128xi32, #tpu.memory_space<vmem>> -> memref<128xi32, #tpu.memory_space<vmem>>
    %dma_wait3A_738 = arith.constant 0 : i32
    %dma_wait3A_739 = arith.constant 0 : i32
    %dma_wait3A_740 = tpu.memref_slice %arg8[%dma_wait3A_738, %dma_wait3A_739] : memref<2048x128xf32, #tpu.memory_space<vmem_shared>> -> memref<2048x128xf32, #tpu.memory_space<vmem_shared>>
    tpu.wait_indirect_dma semaphore(%arg15 : memref<!tpu.dma_semaphore, #tpu.memory_space<semaphore_mem>>) src(%dma_wait3A_734 : memref<128x128xf32, #tpu.memory_space<vmem>>) dst(%dma_wait3A_740 : memref<2048x128xf32, #tpu.memory_space<vmem_shared>>)
    "tpu.region"() ({
      %run_scoped3A_741 = tpu.sem_alloc : memref<!tpu.dma_semaphore, #tpu.memory_space<semaphore_mem>>
      %dma_start3A_742 = arith.constant 0 : i32
      %dma_start3A_743 = tpu.memref_slice %arg4[%mul3A_2, %dma_start3A_742] : memref<4096x128xf32, #tpu.memory_space<hbm>> -> memref<128x128xf32, #tpu.memory_space<hbm>>
      %dma_start3A_744 = arith.constant 0 : i32
      %dma_start3A_745 = tpu.memref_slice %arg8[%mul3A_4, %dma_start3A_744] : memref<2048x128xf32, #tpu.memory_space<vmem_shared>> -> memref<128x128xf32, #tpu.memory_space<vmem_shared>>
      tpu.enqueue_dma source(%dma_start3A_745 : memref<128x128xf32, #tpu.memory_space<vmem_shared>>) target(%dma_start3A_743 : memref<128x128xf32, #tpu.memory_space<hbm>>) target_semaphore(%run_scoped3A_741 : memref<!tpu.dma_semaphore, #tpu.memory_space<semaphore_mem>>)
      %dma_wait3A_746 = arith.constant 0 : i32
      %dma_wait3A_747 = tpu.memref_slice %arg4[%mul3A_2, %dma_wait3A_746] : memref<4096x128xf32, #tpu.memory_space<hbm>> -> memref<128x128xf32, #tpu.memory_space<hbm>>
      %dma_wait3A_748 = arith.constant 0 : i32
      %dma_wait3A_749 = tpu.memref_slice %arg8[%mul3A_4, %dma_wait3A_748] : memref<2048x128xf32, #tpu.memory_space<vmem_shared>> -> memref<128x128xf32, #tpu.memory_space<vmem_shared>>
      tpu.wait_dma2 semaphore(%run_scoped3A_741 : memref<!tpu.dma_semaphore, #tpu.memory_space<semaphore_mem>>) src(%dma_wait3A_749 : memref<128x128xf32, #tpu.memory_space<vmem_shared>>) dst(%dma_wait3A_747 : memref<128x128xf32, #tpu.memory_space<hbm>>)
      tpu.yield
    }) : () -> ()
    return
  }
}

module attributes {stable_mosaic.version = 14 : i64} {
  func.func @_mlp_body(%arg0: memref<4096x128xf32, #tpu.memory_space<vmem>>, %arg1: memref<4096x1xf32, #tpu.memory_space<vmem>>, %arg2: memref<128x50xf32, #tpu.memory_space<vmem>>, %arg3: memref<1x50xf32, #tpu.memory_space<vmem>>, %arg4: memref<1x50xf32, #tpu.memory_space<vmem>>, %arg5: memref<50x50xf32, #tpu.memory_space<vmem>>, %arg6: memref<1x50xf32, #tpu.memory_space<vmem>>, %arg7: memref<50x5xf32, #tpu.memory_space<vmem>>, %arg8: memref<1x5xf32, #tpu.memory_space<vmem>>, %arg9: memref<4096x5xf32, #tpu.memory_space<vmem>>) attributes {dimension_semantics = [], scalar_prefetch = 0 : i64, scratch_operands = 0 : i64, tpu.core_type = #tpu.core_type<tc>} {
    %get3A = arith.constant 0 : index
    %get3A_0 = arith.constant 0 : index
    %get3A_1 = vector.load %arg0[%get3A, %get3A_0] : memref<4096x128xf32, #tpu.memory_space<vmem>>, vector<4096x128xf32>
    %get3A_2 = arith.constant 0 : index
    %get3A_3 = arith.constant 0 : index
    %get3A_4 = vector.load %arg2[%get3A_2, %get3A_3] : memref<128x50xf32, #tpu.memory_space<vmem>>, vector<128x50xf32>
    %mul3A = arith.constant 2.000000e-02 : f32
    %mul3A_5 = vector.broadcast %mul3A : f32 to vector<128x50xf32>
    %mul3A_6 = arith.mulf %get3A_4, %mul3A_5 : vector<128x50xf32>
    %dot_general3A = arith.constant dense<0.000000e+00> : vector<4096x50xf32>
    %dot_general3A_7 = tpu.matmul %get3A_1, %mul3A_6, %dot_general3A {dimension_numbers = #tpu.dot_dimension_numbers<[1], [0], [0], [1], [0, 0, 1, 1], [], []>, transpose_lhs_hint = false} : vector<4096x128xf32>, vector<128x50xf32>, vector<4096x50xf32> -> vector<4096x50xf32>
    %get3A_8 = arith.constant 0 : index
    %get3A_9 = arith.constant 0 : index
    %get3A_10 = vector.load %arg1[%get3A_8, %get3A_9] : memref<4096x1xf32, #tpu.memory_space<vmem>>, vector<4096x1xf32>
    %get3A_11 = arith.constant 0 : index
    %get3A_12 = arith.constant 0 : index
    %get3A_13 = vector.load %arg3[%get3A_11, %get3A_12] : memref<1x50xf32, #tpu.memory_space<vmem>>, vector<1x50xf32>
    %mul3A_14 = vector.broadcast %get3A_10 : vector<4096x1xf32> to vector<4096x50xf32>
    %mul3A_15 = vector.broadcast %get3A_13 : vector<1x50xf32> to vector<4096x50xf32>
    %mul3A_16 = arith.mulf %mul3A_14, %mul3A_15 : vector<4096x50xf32>
    %add3A = arith.addf %dot_general3A_7, %mul3A_16 : vector<4096x50xf32>
    %get3A_17 = arith.constant 0 : index
    %get3A_18 = arith.constant 0 : index
    %get3A_19 = vector.load %arg4[%get3A_17, %get3A_18] : memref<1x50xf32, #tpu.memory_space<vmem>>, vector<1x50xf32>
    %add3A_20 = vector.broadcast %get3A_19 : vector<1x50xf32> to vector<4096x50xf32>
    %add3A_21 = arith.addf %add3A, %add3A_20 : vector<4096x50xf32>
    %max3A = arith.constant 0.000000e+00 : f32
    %max3A_22 = vector.broadcast %max3A : f32 to vector<4096x50xf32>
    %max3A_23 = arith.maximumf %add3A_21, %max3A_22 : vector<4096x50xf32>
    %get3A_24 = arith.constant 0 : index
    %get3A_25 = arith.constant 0 : index
    %get3A_26 = vector.load %arg5[%get3A_24, %get3A_25] : memref<50x50xf32, #tpu.memory_space<vmem>>, vector<50x50xf32>
    %dot_general3A_27 = arith.constant dense<0.000000e+00> : vector<4096x50xf32>
    %dot_general3A_28 = tpu.matmul %max3A_23, %get3A_26, %dot_general3A_27 {dimension_numbers = #tpu.dot_dimension_numbers<[1], [0], [0], [1], [0, 0, 1, 1], [], []>, transpose_lhs_hint = false} : vector<4096x50xf32>, vector<50x50xf32>, vector<4096x50xf32> -> vector<4096x50xf32>
    %get3A_29 = arith.constant 0 : index
    %get3A_30 = arith.constant 0 : index
    %get3A_31 = vector.load %arg6[%get3A_29, %get3A_30] : memref<1x50xf32, #tpu.memory_space<vmem>>, vector<1x50xf32>
    %add3A_32 = vector.broadcast %get3A_31 : vector<1x50xf32> to vector<4096x50xf32>
    %add3A_33 = arith.addf %dot_general3A_28, %add3A_32 : vector<4096x50xf32>
    %max3A_34 = arith.constant 0.000000e+00 : f32
    %max3A_35 = vector.broadcast %max3A_34 : f32 to vector<4096x50xf32>
    %max3A_36 = arith.maximumf %add3A_33, %max3A_35 : vector<4096x50xf32>
    %get3A_37 = arith.constant 0 : index
    %get3A_38 = arith.constant 0 : index
    %get3A_39 = vector.load %arg7[%get3A_37, %get3A_38] : memref<50x5xf32, #tpu.memory_space<vmem>>, vector<50x5xf32>
    %dot_general3A_40 = arith.constant dense<0.000000e+00> : vector<4096x5xf32>
    %dot_general3A_41 = tpu.matmul %max3A_36, %get3A_39, %dot_general3A_40 {dimension_numbers = #tpu.dot_dimension_numbers<[1], [0], [0], [1], [0, 0, 1, 1], [], []>, transpose_lhs_hint = false} : vector<4096x50xf32>, vector<50x5xf32>, vector<4096x5xf32> -> vector<4096x5xf32>
    %get3A_42 = arith.constant 0 : index
    %get3A_43 = arith.constant 0 : index
    %get3A_44 = vector.load %arg8[%get3A_42, %get3A_43] : memref<1x5xf32, #tpu.memory_space<vmem>>, vector<1x5xf32>
    %add3A_45 = vector.broadcast %get3A_44 : vector<1x5xf32> to vector<4096x5xf32>
    %add3A_46 = arith.addf %dot_general3A_41, %add3A_45 : vector<4096x5xf32>
    %swap3A = arith.constant 0 : index
    %swap3A_47 = arith.constant 0 : index
    %swap3A_48 = vector.load %arg9[%swap3A, %swap3A_47] : memref<4096x5xf32, #tpu.memory_space<vmem>>, vector<4096x5xf32>
    tpu.vector_store %arg9[%swap3A, %swap3A_47], %add3A_46 {strides = array<i32>} : memref<4096x5xf32, #tpu.memory_space<vmem>>, vector<4096x5xf32>,
    return
  }
}

</mosaic_0001>

<sc_bundles>
// kernel: kernel.4.cloned.1.call-start
scs
__scs_entry_jumppad:
0x0: {  	(pc) =	sbr.rel $0x88, $3  }
0x1: {  	(tag) =	ssettag $0x0;
	lr =	simm.s32 $0x1  }
0x2: {  	[smem:$0x3F98] =	sst lr;
	_ =	strace $0xD0000000  }
0x3: {  	_ = 	snop  }
0x4: {  	_ = 	snop  }
0x5: {  	_ = 	snop  }
0x6: {  	_ = 	snop  }
0x7: {  	_ = 	snop  }
__scs_overlays_trampoline_lowered:
0x8: {  	[smem:$0x3FA7] =	sst s0  }
0x9: {  	[smem:$0x3FA8] =	sst s1  }
0xa: {  	[smem:$0x3FA9] =	sst s2  }
0xb: {  	[smem:$0x3FAA] =	sst s3  }
0xc: {  	[smem:$0x3FAB] =	sst s4  }
0xd: {  	[smem:$0x3FAC] =	sst s5  }
0xe: {  	[smem:$0x3FAD] =	sst s6  }
0xf: {  	[smem:$0x3FAE] =	sst s7  }
0x10: {  	[smem:$0x3FAF] =	sst s8  }
0x11: {  	[smem:$0x3FB0] =	sst s9;
	s0 =	simm.s32 @!p0 $0x0  }
0x12: {  	s1 =	sld [smem:$0x3F96];
	s0 =	simm.s32 @p0 $0x1  }
0x13: {  	[smem:$0x3FB1] =	sst s0;
	s0 =	simm.s32 @!p1 $0x0  }
0x14: {  	s2 =	sld [smem:$0x3F95];
	s0 =	simm.s32 @p1 $0x1  }
0x15: {  	[smem:$0x3FB2] =	sst s0;
	s0 =	simm.s32 @!p2 $0x0  }
0x16: {  	s3 =	sld [smem:$0x3FDB];
	s0 =	simm.s32 @p2 $0x1  }
0x17: {  	s4 =	simm.s32 $0x1BF5;
	[smem:$0x3FB4] =	sst s0  }
0x18: {  	s0 =	sld [smem:$0x3F97];
	_ =	swait.ge [sflag:s4], $0x0  }
0x19: {  	s7 =	sld [smem:$0x3F98]  }
0x1a: {  	s8 =	sadd.s32 $0xFFFFE003, lr  }
0x1b: {  	s9 =	sadd.s32 $0xFFFFFEF7, lr;
	s5 =	simm.s32 $0xFFFFFFFF;
	p2 =	slt.u32 s8, $0xFFFFF086  }
0x1c: {  	p1 =	slt.u32 s9, $0xF7A;
	s5 =	simm.s32 @!p2 $0x0  }
0x1d: {  	s5 =	simm.s32 @p1 $0x1;
	p0 =	seq.s32 s7, s2  }
0x1e: {  	s7 =	smul.u32 @!p0 $0xF7A, s2;
	p2 =	seq.s32 @!p0 s5, $0x0  }
0x1f: {  	s9 =	smul.u32 $0xF7A, s1;
	s8 =	simm.s32 @!p0 $0x1BF5;
	p2 =	por !p2, p0  }
0x20: {  	[sflag:s8] =	ssyncset.s32 @!p0 $0xFFFFF086;
	s6 =	sadd.s32 @!p0 s3, s7;
	s7 =	simm.s32 @!p0 $0x108  }
0x21: {  	s3 =	sadd.s32 s3, s9;
	s6 =	sadd.s32 @!p0 $0x88, s6;
	s7 =	simm.s32 @p2 $0x1082  }
0x22: {  	[simem:s7], [sflag:s8] =	dma.local @!p0 [hbm:s6], $0xF7A  }
0x23: {  	s9 =	sor.u32 $0xD0000000, s2;
	s6 =	simm.s32 $0x108;
	_ =	swait.ge @!p0 [sflag:s8], $0x0  }
0x24: {  	s3 =	sadd.s32 $0x88, s3;
	s6 =	simm.s32 @!p1 $0x1082;
	[sflag:s4] =	ssyncset.s32 $0xFFFFF086  }
0x25: {  	[simem:s6], [sflag:s4] =	dma.local [hbm:s3], $0xF7A  }
0x26: {  	[smem:$0x3F98] =	sst s1;
	(tag) =	ssettag s2;
	_ =	strace s9  }
0x27: {  	s1 =	sld [smem:$0x3FA8]  }
0x28: {  	s2 =	sld [smem:$0x3FA9]  }
0x29: {  	s4 =	sld [smem:$0x3FAB]  }
0x2a: {  	p0 =	seq.s32 s5, $0x0;
	s5 =	sld [smem:$0x3FAC]  }
0x2b: {  	s6 =	sld [smem:$0x3FAD]  }
0x2c: {  	s7 =	sld [smem:$0x3FAE]  }
0x2d: {  	s3 =	simm.s32 $0x108;
	s8 =	sld [smem:$0x3FAF]  }
0x2e: {  	s3 =	simm.s32 @!p0 $0x1082;
	s9 =	sld [smem:$0x3FB0]  }
0x2f: {  	lr =	sadd.s32 s0, s3;
	s0 =	sld [smem:$0x3FA7]  }
0x30: {  	s3 =	sld [smem:$0x3FAA]  }
0x31: {  	[smem:$0x3FB3] =	sst s10  }
0x32: {  	s10 =	sld [smem:$0x3FB1];
	_ =	sdelay $0x3  }
0x33: {  	p0 =	seq.s32 s10, $0x1;
	s10 =	sld [smem:$0x3FB3];
	_ =	sdelay $0x3  }
0x34: {  	[smem:$0x3FB3] =	sst s10  }
0x35: {  	s10 =	sld [smem:$0x3FB2];
	_ =	sdelay $0x3  }
0x36: {  	p1 =	seq.s32 s10, $0x1;
	s10 =	sld [smem:$0x3FB3];
	_ =	sdelay $0x3  }
0x37: {  	[smem:$0x3FB3] =	sst s10  }
0x38: {  	s10 =	sld [smem:$0x3FB4]  }
0x39: {  	_ = 	snop;
	(pc) =	sbr.ind lr, $3  }
0x3a: {  	_ = 	snop  }
0x3b: {  	_ = 	snop  }
0x3c: {  	p2 =	seq.s32 s10, $0x1;
	s10 =	sld [smem:$0x3FB3]  }
0x3d: {  	_ =	shalt  }
0x3e: {  	_ =	shalt  }
0x3f: {  	_ =	shalt  }
0x40: {  	_ =	shalt  }
0x41: {  	_ =	shalt  }
0x42: {  	_ =	shalt  }
0x43: {  	_ =	shalt  }
0x44: {  	_ =	shalt  }
0x45: {  	_ =	shalt  }
0x46: {  	_ =	shalt  }
0x47: {  	_ =	shalt  }
0x48: {  	_ =	shalt  }
0x49: {  	_ =	shalt  }
0x4a: {  	_ =	shalt  }
0x4b: {  	_ =	shalt  }
0x4c: {  	_ =	shalt  }
0x4d: {  	_ =	shalt  }
0x4e: {  	_ =	shalt  }
0x4f: {  	_ =	shalt  }
0x50: {  	_ =	shalt  }
0x51: {  	_ =	shalt  }
0x52: {  	_ =	shalt  }
0x53: {  	_ =	shalt  }
0x54: {  	_ =	shalt  }
0x55: {  	_ =	shalt  }
0x56: {  	_ =	shalt  }
0x57: {  	_ =	shalt  }
0x58: {  	_ =	shalt  }
0x59: {  	_ =	shalt  }
0x5a: {  	_ =	shalt  }
0x5b: {  	_ =	shalt  }
0x5c: {  	_ =	shalt  }
0x5d: {  	_ =	shalt  }
0x5e: {  	_ =	shalt  }
0x5f: {  	_ =	shalt  }
0x60: {  	_ =	shalt  }
0x61: {  	_ =	shalt  }
0x62: {  	_ =	shalt  }
0x63: {  	_ =	shalt  }
0x64: {  	_ =	shalt  }
0x65: {  	_ =	shalt  }
0x66: {  	_ =	shalt  }
0x67: {  	_ =	shalt  }
0x68: {  	_ =	shalt  }
0x69: {  	_ =	shalt  }
0x6a: {  	_ =	shalt  }
0x6b: {  	_ =	shalt  }
0x6c: {  	_ =	shalt  }
0x6d: {  	_ =	shalt  }
0x6e: {  	_ =	shalt  }
0x6f: {  	_ =	shalt  }
0x70: {  	_ =	shalt  }
0x71: {  	_ =	shalt  }
0x72: {  	_ =	shalt  }
0x73: {  	_ =	shalt  }
0x74: {  	_ =	shalt  }
0x75: {  	_ =	shalt  }
0x76: {  	_ =	shalt  }
0x77: {  	_ =	shalt  }
0x78: {  	_ =	shalt  }
0x79: {  	_ =	shalt  }
0x7a: {  	_ =	shalt  }
0x7b: {  	_ =	shalt  }
0x7c: {  	_ =	shalt  }
0x7d: {  	_ =	shalt  }
0x7e: {  	_ =	shalt  }
0x7f: {  	_ =	shalt  }
0x80: {  	_ =	shalt  }
0x81: {  	_ =	shalt  }
0x82: {  	_ =	shalt  }
0x83: {  	_ =	shalt  }
0x84: {  	_ =	shalt  }
0x85: {  	_ =	shalt  }
0x86: {  	_ =	shalt  }
0x87: {  	_ =	shalt  }
.Lfunc_end0:
.L_simem_size_0:
called_computation_lowered:
.L_overlay_start_0:
0x88: {  	s2 =	sld [smem:$0x3FD9]  }
0x89: {  	s3 =	sld [smem:$0x3FFE];
	_ =	sdelay $0x1  }
0x8a: {  	s1 =	srdreg.scid  }
0x8b: {  	s0 =	sand.u32 $0x1, s1  }
0x8c: {  	s17 =	sshll.u32 s0, $0xA;
	s2 =	sadd.s32 s3, s2  }
0x8d: {  	s2 =	sadd.s32 s2, s17  }
0x8e: {  	[smem:$0x3FBF] =	sst s2  }
0x8f: {  	_ = 	snop  }
0x90: {  	s2 =	sld [smem:$0x3FC7];
	(tm) =	ssettm $0x1  }
0x91: {  	s18 =	sld [smem:$0x3FFB];
	_ =	sdelay $0x3  }
0x92: {  	_ =	strace s18  }
0x93: {  	s3 =	sld [smem:$0x3FFC];
	_ =	sdelay $0x3  }
0x94: {  	_ =	strace s3  }
0x95: {  	s3 =	sld [smem:$0x3FFD];
	_ =	sdelay $0x3  }
0x96: {  	_ =	strace s3  }
0x97: {  	_ =	strace $0x8FFFFFFF  }
0x98: {  	s19 =	sld [smem:$0x3FDB];
	_ =	sdelay $0x1  }
0x99: {  	s4 =	simm.s32 $_scs_section_size  }
0x9a: {  	s5 =	simm.s32 $_size__tile_overlayer_lowered;
	s6 =	simm.s32 $_tile_overlayer_lowered  }
0x9b: {  	s22 =	simm.s32 $0x1BFF;
	s21 =	sshll.u32 s6, $0x1;
	s3 =	sadd.s32 s4, s19  }
0x9c: {  	s7 =	simm.s32 $0x0;
	s20 =	sshll.u32 s5, $0x1;
	s5 =	sadd.s32 s21, s3  }
0x9d: {  	[timem:s7], [sflag:s22] =	dma.local [hbm:s5], s20  }
0x9e: {  	_ =	swait.ge [sflag:s22], s20  }
0x9f: {  	s4 =	ssub.s32 $0x0, s20;
	[sflag:s22] =	ssyncset.done $0x0  }
0xa0: {  	[sflag:s22] =	ssyncadd.s32 s4;
	_ =	sdelay $0x1  }
0xa1: {  	s23 =	simm.s32 $0x1B8B  }
0xa2: {  	_ =	swait.ge [sflag:s23], $0x1  }
0xa3: {  	[sflag:s23] =	ssyncset.done $0x0  }
0xa4: {  	s25 =	simm.s32 $0x1B8E;
	s24 =	sld [smem:$0x3FFE];
	[sflag:s23] =	ssyncadd.s32 $0xFFFFFFFF  }
0xa5: {  	s26 =	simm.s32 $execute0_lowered;
	[smem:$0x3FD2] =	sst s25  }
0xa6: {  	s5 =	sshll.u32 s26, $0x1;
	_ =	strace $0x80000046;
	[dreg:$0x1] =	wrdreg $0xFFFFFFFF  }
0xa7: {  	s28 =	simm.s32 $_size_execute0_lowered;
	s3 =	sadd.s32 s3, s5;
	[dreg:$0x0] =	wrdreg $0x0  }
0xa8: {  	s5 =	sshll.u32 s28, $0x1;
	[dreg:$0x2] =	wrdreg s3  }
0xa9: {  	[dreg:$0x3] =	wrdreg s5  }
0xaa: {  	[dreg:$0x4] =	wrdreg $0xC0  }
0xab: {  	_ =	task [dreg:s7], $0x5FFFF  }
0xac: {  	[dreg:$0x1] =	wrdreg $0xFFFFFFFF  }
0xad: {  	[dreg:$0x0] =	wrdreg $0x60  }
0xae: {  	[dreg:$0x2] =	wrdreg s24  }
0xaf: {  	[dreg:$0x3] =	wrdreg s2  }
0xb0: {  	[dreg:$0x4] =	wrdreg $0x19C800  }
0xb1: {  	[dreg:$0x5] =	wrdreg $0x9  }
0xb2: {  	_ =	task.clear_ibuf [dreg:s7], $0x6FFFF;
	_ =	strace $0x90000046  }
0xb3: {  	s29 =	simm.s32 $0x9;
	_ =	strace $0x80000048  }
0xb4: {  	_ =	swait.ge [sflag:s29], $0x1  }
0xb5: {  	[sflag:s29] =	ssyncadd.s32 $0xFFFFFFFF  }
0xb6: {  	_ =	strace $0x90000048  }
0xb7: {  	_ =	sfence  }
0xb8: {  	s30 =	sld [smem:$0x0];
	_ =	sdelay $0x2  }
0xb9: {  	s31 =	sshll.u32 s1, $0xD;
	s1 =	sshrl.u32 s1, $0x2  }
0xba: {  	s3 =	sand.u32 $0x4000, s31;
	s1 =	sadd.s32 s1, s30  }
0xbb: {  	s0 =	sor.u32 s3, s0;
	s1 =	sshll.u32 s1, $0x11  }
0xbc: {  	s0 =	sor.u32 s1, s0  }
0xbd: {  	s0 =	sadd.s32 $0x8F2B, s0  }
0xbe: {  	[sflag:s0] =	ssyncadd.remote.s32 $0x1  }
0xbf: {  	_ =	sfence.sel $0xFFFF  }
0xc0: {  	[dreg:$0x0] =	wrdreg $0xFFFFFFFF;
	(pc) =	sbr.abs _section_cstart, $3  }
0xc1: {  	[dreg:$0x1] =	wrdreg $0xFFFFFFFF  }
0xc2: {  	_ =	task.clear_ibuf [dreg:s7], $0x2FFFF;
	_ =	strace $0x9FFFFFFF  }
0xc3: {  	(tm) =	ssettm $0x7FFFFFFF  }
tec
execute0_lowered:
.L_overlay_start_1:
0x0: {  	(tag) =	ssettag $0x1  }
0x1: {  	s0 =	rddreg [dreg:$0x0]  }
0x2: {  	s2 =	rddreg [dreg:$0x1]  }
0x3: {  	s1 =	srdreg.scid;
	s7 =	stileid.u32  }
0x4: {  	s3 =	rddreg [dreg:$0x2];
	s4 =	simm.s32 $0x0;
	s9 =	simm.s32 $0x8  }
0x5: {  	s10 =	simm.s32 $0x80;
	s11 =	simm.s32 $0x1C80;
	s12 =	simm.s32 $0x5C80  }
0x6: {  	s14 =	simm.s32 $0x9C80;
	s16 =	simm.s32 $0xDC80;
	s18 =	simm.s32 $0x11C80  }
0x7: {  	s20 =	simm.s32 $0x15C80;
	s21 =	simm.s32 $0x1;
	s23 =	simm.s32 $0x2  }
0x8: {  	s28 =	simm.s32 $0x3;
	s30 =	simm.s32 $0x4;
	s1 =	sand.u32 $0x1, s1  }
0x9: {  	s5 =	sshll.u32 s7, $0x1;
	[smem:$0x7FF] =	sst s4;
	s13 =	sshll.u32 s7, $0x7  }
0xa: {  	s25 =	sshll.u32 s7, $0xE;
	s5 =	sor.u32 s1, s5;
	_ =	strace $0x80000047  }
0xb: {  	s1 =	ssub.s32 $0x2, s1;
	s15 =	sor.u32 $0x10, s13;
	s17 =	sor.u32 $0x20, s13  }
0xc: {  	v7 =	vlaneseq.u32;
	s19 =	sor.u32 $0x30, s13;
	s22 =	sor.u32 $0x40, s13;
	s31 =	sor.u32 $0x50, s13  }
0xd: {  	s29 =	sor.u32 $0x60, s13;
	s26 =	sor.u32 $0x70, s13;
	v0 =	vor.u32 s13, v7;
	s13 =	simm.s32 $0x500  }
0xe: {  	s6 =	smul.u32 $0x380, s5;
	s5 =	sshll.u32 s5, $0xB;
	s24 =	sshrl.u32 s1, $0x1  }
0xf: {  	v1 =	vor.u32 s15, v7;
	v2 =	vor.u32 s17, v7;
	v3 =	vor.u32 s19, v7;
	s15 =	simm.s32 $0x6;
	s17 =	simm.s32 $0x580;
	s19 =	simm.s32 $0x1880  }
0x10: {  	v4 =	vor.u32 s22, v7;
	s22 =	simm.s32 $0x0;
	s1 =	ssub.s32 s1, s24;
	s24 =	simm.s32 $0x1C00  }
0x11: {  	s6 =	sadd.s32 s6, s0;
	s0 =	sadd.s32 s5, s0;
	s8 =	smax.u32 s1, $0x1  }
0x12: {  	s1 =	simm.s32 $0x5;
	s5 =	sadd.s32 $0x1400, s6;
	s6 =	sadd.s32 s25, s3  }
0x13: {  	v5 =	vor.u32 s31, v7;
	v6 =	vor.u32 s29, v7;
	v7 =	vor.u32 s26, v7;
	s7 =	sadd.s32 $0x8400, s0;
	s25 =	simm.s32 $0x7;
	s0 =	simm.s32 $0x1800  }
.LBB2_1:
0x14: {  	[tilespmem:s4], [sflag:$0x8] =	stream.linear.gather [hbm4b:s5+s4], $0x1900, $0x38;
	[tilespmem:$0x1DC80] =	vst v63  }
0x15: {  	_ =	swait.ge [sflag:s9], $0x1900  }
0x16: {  	[sflag:s9] =	ssyncset.done $0x0  }
0x17: {  	[sflag:s9] =	ssyncadd.s32 $0xFFFFE700  }
0x18: {  	[tilespmem:$0x1C00] =	vst v0  }
0x19: {  	[tilespmem:$0x1C10] =	vst v1  }
0x1a: {  	[tilespmem:$0x1C20] =	vst v2  }
0x1b: {  	[tilespmem:$0x1C30] =	vst v3  }
0x1c: {  	[tilespmem:$0x1C40] =	vst v4  }
0x1d: {  	[tilespmem:$0x1C50] =	vst v5  }
0x1e: {  	[tilespmem:$0x1C60] =	vst v6  }
0x1f: {  	[tilespmem:$0x1C70] =	vst v7  }
0x20: {  	[tilespmem:s11], [sflag:$0x1] =	stream.indirect.gather [hbm4b:s2+s10], $0x80, s4, s10, $0xb8;
	[tilespmem:$0x1DC80] =	vst v63  }
0x21: {  	_ = 	snop  }
0x22: {  	[tilespmem:s12], [sflag:$0x2] =	stream.indirect.gather [hbm4b:s2+s10], $0x80, s10, s10, $0xb8;
	[tilespmem:$0x1DC80] =	vst v63  }
0x23: {  	s26 =	simm.s32 $0x100  }
0x24: {  	[tilespmem:s14], [sflag:$0x3] =	stream.indirect.gather [hbm4b:s2+s10], $0x80, s26, s10, $0xb8;
	[tilespmem:$0x1DC80] =	vst v63  }
0x25: {  	s31 =	simm.s32 $0x180  }
0x26: {  	[tilespmem:s16], [sflag:$0x4] =	stream.indirect.gather [hbm4b:s2+s10], $0x80, s31, s10, $0xb8;
	[tilespmem:$0x1DC80] =	vst v63  }
0x27: {  	s31 =	simm.s32 $0x200  }
0x28: {  	[tilespmem:s18], [sflag:$0x5] =	stream.indirect.gather [hbm4b:s2+s10], $0x80, s31, s10, $0xb8;
	[tilespmem:$0x1DC80] =	vst v63  }
0x29: {  	s31 =	simm.s32 $0x280  }
0x2a: {  	[tilespmem:s20], [sflag:$0x6] =	stream.indirect.gather [hbm4b:s2+s10], $0x80, s31, s10, $0xb8;
	[tilespmem:$0x1DC80] =	vst v63  }
0x2b: {  	_ =	swait.ge [sflag:s21], $0x4000  }
0x2c: {  	[sflag:s21] =	ssyncset.done $0x0  }
0x2d: {  	[sflag:s21] =	ssyncadd.s32 $0xFFFFC000  }
0x2e: {  	[spmem:s6] =	stream.linear.scatter [tilespmem:s11], [sflag:$0x8], $0x4000, $0x38;
	[tilespmem:$0x1DC80] =	vst v63  }
0x2f: {  	_ =	swait.ge [sflag:s9], $0x4000  }
0x30: {  	[sflag:s9] =	ssyncset.done $0x0  }
0x31: {  	s31 =	simm.s32 $0x300;
	[sflag:s9] =	ssyncadd.s32 $0xFFFFC000  }
0x32: {  	[tilespmem:s11], [sflag:$0x1] =	stream.indirect.gather [hbm4b:s2+s10], $0x80, s31, s10, $0xb8;
	[tilespmem:$0x1DC80] =	vst v63  }
0x33: {  	_ =	swait.ge [sflag:s23], $0x4000  }
0x34: {  	[sflag:s23] =	ssyncset.done $0x0  }
0x35: {  	[sflag:s23] =	ssyncadd.s32 $0xFFFFC000  }
0x36: {  	[spmem:s3] =	stream.indirect.scatter.add.f32 [tilespmem:s12], [sflag:$0x7], $0x80, s24, s10, $0xb8;
	[tilespmem:$0x1DC80] =	vst v63  }
0x37: {  	_ =	swait.ge [sflag:s25], $0x4000  }
0x38: {  	[sflag:s25] =	ssyncset.done $0x0  }
0x39: {  	s31 =	simm.s32 $0x380;
	[sflag:s25] =	ssyncadd.s32 $0xFFFFC000  }
0x3a: {  	[tilespmem:s12], [sflag:$0x2] =	stream.indirect.gather [hbm4b:s2+s10], $0x80, s31, s10, $0xb8;
	[tilespmem:$0x1DC80] =	vst v63  }
0x3b: {  	_ =	swait.ge [sflag:s28], $0x4000  }
0x3c: {  	[sflag:s28] =	ssyncset.done $0x0  }
0x3d: {  	[sflag:s28] =	ssyncadd.s32 $0xFFFFC000  }
0x3e: {  	[spmem:s3] =	stream.indirect.scatter.add.f32 [tilespmem:s14], [sflag:$0x7], $0x80, s24, s10, $0xb8;
	[tilespmem:$0x1DC80] =	vst v63  }
0x3f: {  	_ =	swait.ge [sflag:s25], $0x4000  }
0x40: {  	[sflag:s25] =	ssyncset.done $0x0  }
0x41: {  	s31 =	simm.s32 $0x400;
	[sflag:s25] =	ssyncadd.s32 $0xFFFFC000  }
0x42: {  	[tilespmem:s14], [sflag:$0x3] =	stream.indirect.gather [hbm4b:s2+s10], $0x80, s31, s10, $0xb8;
	[tilespmem:$0x1DC80] =	vst v63  }
0x43: {  	_ =	swait.ge [sflag:s30], $0x4000  }
0x44: {  	[sflag:s30] =	ssyncset.done $0x0  }
0x45: {  	[sflag:s30] =	ssyncadd.s32 $0xFFFFC000  }
0x46: {  	[spmem:s3] =	stream.indirect.scatter.add.f32 [tilespmem:s16], [sflag:$0x7], $0x80, s24, s10, $0xb8;
	[tilespmem:$0x1DC80] =	vst v63  }
0x47: {  	_ =	swait.ge [sflag:s25], $0x4000  }
0x48: {  	[sflag:s25] =	ssyncset.done $0x0  }
0x49: {  	s31 =	simm.s32 $0x480;
	[sflag:s25] =	ssyncadd.s32 $0xFFFFC000  }
0x4a: {  	[tilespmem:s16], [sflag:$0x4] =	stream.indirect.gather [hbm4b:s2+s10], $0x80, s31, s10, $0xb8;
	[tilespmem:$0x1DC80] =	vst v63  }
0x4b: {  	_ =	swait.ge [sflag:s1], $0x4000  }
0x4c: {  	[sflag:s1] =	ssyncset.done $0x0  }
0x4d: {  	[sflag:s1] =	ssyncadd.s32 $0xFFFFC000  }
0x4e: {  	[spmem:s3] =	stream.indirect.scatter.add.f32 [tilespmem:s18], [sflag:$0x7], $0x80, s24, s10, $0xb8;
	[tilespmem:$0x1DC80] =	vst v63  }
0x4f: {  	_ =	swait.ge [sflag:s25], $0x4000  }
0x50: {  	[sflag:s25] =	ssyncset.done $0x0  }
0x51: {  	[sflag:s25] =	ssyncadd.s32 $0xFFFFC000  }
0x52: {  	[tilespmem:s18], [sflag:$0x5] =	stream.indirect.gather [hbm4b:s2+s10], $0x80, s13, s10, $0xb8;
	[tilespmem:$0x1DC80] =	vst v63  }
0x53: {  	_ =	swait.ge [sflag:s15], $0x4000  }
0x54: {  	[sflag:s15] =	ssyncset.done $0x0  }
0x55: {  	[sflag:s15] =	ssyncadd.s32 $0xFFFFC000  }
0x56: {  	[spmem:s3] =	stream.indirect.scatter.add.f32 [tilespmem:s20], [sflag:$0x7], $0x80, s24, s10, $0xb8;
	[tilespmem:$0x1DC80] =	vst v63  }
0x57: {  	_ =	swait.ge [sflag:s25], $0x4000  }
0x58: {  	[sflag:s25] =	ssyncset.done $0x0  }
0x59: {  	[sflag:s25] =	ssyncadd.s32 $0xFFFFC000  }
0x5a: {  	[tilespmem:s20], [sflag:$0x6] =	stream.indirect.gather [hbm4b:s2+s10], $0x80, s17, s10, $0xb8;
	[tilespmem:$0x1DC80] =	vst v63  }
0x5b: {  	_ =	swait.ge [sflag:s21], $0x4000  }
0x5c: {  	[sflag:s21] =	ssyncset.done $0x0  }
0x5d: {  	[sflag:s21] =	ssyncadd.s32 $0xFFFFC000  }
0x5e: {  	[spmem:s3] =	stream.indirect.scatter.add.f32 [tilespmem:s11], [sflag:$0x7], $0x80, s24, s10, $0xb8;
	[tilespmem:$0x1DC80] =	vst v63  }
0x5f: {  	_ =	swait.ge [sflag:s25], $0x4000  }
0x60: {  	[sflag:s25] =	ssyncset.done $0x0  }
0x61: {  	s31 =	simm.s32 $0x600;
	[sflag:s25] =	ssyncadd.s32 $0xFFFFC000  }
0x62: {  	[tilespmem:s11], [sflag:$0x1] =	stream.indirect.gather [hbm4b:s2+s10], $0x80, s31, s10, $0xb8;
	[tilespmem:$0x1DC80] =	vst v63  }
0x63: {  	_ =	swait.ge [sflag:s23], $0x4000  }
0x64: {  	[sflag:s23] =	ssyncset.done $0x0  }
0x65: {  	[sflag:s23] =	ssyncadd.s32 $0xFFFFC000  }
0x66: {  	[spmem:s3] =	stream.indirect.scatter.add.f32 [tilespmem:s12], [sflag:$0x7], $0x80, s24, s10, $0xb8;
	[tilespmem:$0x1DC80] =	vst v63  }
0x67: {  	_ =	swait.ge [sflag:s25], $0x4000  }
0x68: {  	[sflag:s25] =	ssyncset.done $0x0  }
0x69: {  	s31 =	simm.s32 $0x680;
	[sflag:s25] =	ssyncadd.s32 $0xFFFFC000  }
0x6a: {  	[tilespmem:s12], [sflag:$0x2] =	stream.indirect.gather [hbm4b:s2+s10], $0x80, s31, s10, $0xb8;
	[tilespmem:$0x1DC80] =	vst v63  }
0x6b: {  	_ =	swait.ge [sflag:s28], $0x4000  }
0x6c: {  	[sflag:s28] =	ssyncset.done $0x0  }
0x6d: {  	[sflag:s28] =	ssyncadd.s32 $0xFFFFC000  }
0x6e: {  	[spmem:s3] =	stream.indirect.scatter.add.f32 [tilespmem:s14], [sflag:$0x7], $0x80, s24, s10, $0xb8;
	[tilespmem:$0x1DC80] =	vst v63  }
0x6f: {  	_ =	swait.ge [sflag:s25], $0x4000  }
0x70: {  	[sflag:s25] =	ssyncset.done $0x0  }
0x71: {  	s31 =	simm.s32 $0x700;
	[sflag:s25] =	ssyncadd.s32 $0xFFFFC000  }
0x72: {  	[tilespmem:s14], [sflag:$0x3] =	stream.indirect.gather [hbm4b:s2+s10], $0x80, s31, s10, $0xb8;
	[tilespmem:$0x1DC80] =	vst v63  }
0x73: {  	_ =	swait.ge [sflag:s30], $0x4000  }
0x74: {  	[sflag:s30] =	ssyncset.done $0x0  }
0x75: {  	[sflag:s30] =	ssyncadd.s32 $0xFFFFC000  }
0x76: {  	[spmem:s3] =	stream.indirect.scatter.add.f32 [tilespmem:s16], [sflag:$0x7], $0x80, s24, s10, $0xb8;
	[tilespmem:$0x1DC80] =	vst v63  }
0x77: {  	_ =	swait.ge [sflag:s25], $0x4000  }
0x78: {  	[sflag:s25] =	ssyncset.done $0x0  }
0x79: {  	s31 =	simm.s32 $0x780;
	[sflag:s25] =	ssyncadd.s32 $0xFFFFC000  }
0x7a: {  	[tilespmem:s16], [sflag:$0x4] =	stream.indirect.gather [hbm4b:s2+s10], $0x80, s31, s10, $0xb8;
	[tilespmem:$0x1DC80] =	vst v63  }
0x7b: {  	_ =	swait.ge [sflag:s1], $0x4000  }
0x7c: {  	[sflag:s1] =	ssyncset.done $0x0  }
0x7d: {  	[sflag:s1] =	ssyncadd.s32 $0xFFFFC000  }
0x7e: {  	[spmem:s3] =	stream.indirect.scatter.add.f32 [tilespmem:s18], [sflag:$0x7], $0x80, s24, s10, $0xb8;
	[tilespmem:$0x1DC80] =	vst v63  }
0x7f: {  	_ =	swait.ge [sflag:s25], $0x4000  }
0x80: {  	[sflag:s25] =	ssyncset.done $0x0  }
0x81: {  	s31 =	simm.s32 $0x800;
	[sflag:s25] =	ssyncadd.s32 $0xFFFFC000  }
0x82: {  	[tilespmem:s18], [sflag:$0x5] =	stream.indirect.gather [hbm4b:s2+s10], $0x80, s31, s10, $0xb8;
	[tilespmem:$0x1DC80] =	vst v63  }
0x83: {  	_ =	swait.ge [sflag:s15], $0x4000  }
0x84: {  	[sflag:s15] =	ssyncset.done $0x0  }
0x85: {  	[sflag:s15] =	ssyncadd.s32 $0xFFFFC000  }
0x86: {  	[spmem:s3] =	stream.indirect.scatter.add.f32 [tilespmem:s20], [sflag:$0x7], $0x80, s24, s10, $0xb8;
	[tilespmem:$0x1DC80] =	vst v63  }
0x87: {  	_ =	swait.ge [sflag:s25], $0x4000  }
0x88: {  	[sflag:s25] =	ssyncset.done $0x0  }
0x89: {  	s29 =	simm.s32 $0x880;
	s26 =	simm.s32 $0xC00;
	[sflag:s25] =	ssyncadd.s32 $0xFFFFC000  }
.LBB2_2:
0x8a: {  	[tilespmem:s20], [sflag:$0x6] =	stream.indirect.gather [hbm4b:s2+s10], $0x80, s29, s10, $0xb8;
	[tilespmem:$0x1DC80] =	vst v63  }
0x8b: {  	s29 =	smov.u32 s26  }
0x8c: {  	p0 =	sne.s32 s26, $0x3C00;
	s26 =	sadd.s32 $0xC00, s26;
	_ =	swait.ge [sflag:s21], $0x4000  }
0x8d: {  	[sflag:s21] =	ssyncset.done $0x0  }
0x8e: {  	[sflag:s21] =	ssyncadd.s32 $0xFFFFC000  }
0x8f: {  	[spmem:s3] =	stream.indirect.scatter.add.f32 [tilespmem:s11], [sflag:$0x7], $0x80, s24, s10, $0xb8;
	[tilespmem:$0x1DC80] =	vst v63  }
0x90: {  	_ =	swait.ge [sflag:s25], $0x4000  }
0x91: {  	s29 =	sshra.s32 s29, $0x2;
	[sflag:s25] =	ssyncset.done $0x0  }
0x92: {  	s31 =	sadd.s32 $0x600, s29;
	[sflag:s25] =	ssyncadd.s32 $0xFFFFC000  }
0x93: {  	[tilespmem:s11], [sflag:$0x1] =	stream.indirect.gather [hbm4b:s2+s10], $0x80, s31, s10, $0xb8;
	[tilespmem:$0x1DC80] =	vst v63  }
0x94: {  	_ =	swait.ge [sflag:s23], $0x4000  }
0x95: {  	[sflag:s23] =	ssyncset.done $0x0  }
0x96: {  	[sflag:s23] =	ssyncadd.s32 $0xFFFFC000  }
0x97: {  	[spmem:s3] =	stream.indirect.scatter.add.f32 [tilespmem:s12], [sflag:$0x7], $0x80, s24, s10, $0xb8;
	[tilespmem:$0x1DC80] =	vst v63  }
0x98: {  	_ =	swait.ge [sflag:s25], $0x4000  }
0x99: {  	[sflag:s25] =	ssyncset.done $0x0  }
0x9a: {  	s31 =	sadd.s32 $0x680, s29;
	[sflag:s25] =	ssyncadd.s32 $0xFFFFC000  }
0x9b: {  	[tilespmem:s12], [sflag:$0x2] =	stream.indirect.gather [hbm4b:s2+s10], $0x80, s31, s10, $0xb8;
	[tilespmem:$0x1DC80] =	vst v63  }
0x9c: {  	_ =	swait.ge [sflag:s28], $0x4000  }
0x9d: {  	[sflag:s28] =	ssyncset.done $0x0  }
0x9e: {  	[sflag:s28] =	ssyncadd.s32 $0xFFFFC000  }
0x9f: {  	[spmem:s3] =	stream.indirect.scatter.add.f32 [tilespmem:s14], [sflag:$0x7], $0x80, s24, s10, $0xb8;
	[tilespmem:$0x1DC80] =	vst v63  }
0xa0: {  	_ =	swait.ge [sflag:s25], $0x4000  }
0xa1: {  	[sflag:s25] =	ssyncset.done $0x0  }
0xa2: {  	s31 =	sadd.s32 $0x700, s29;
	[sflag:s25] =	ssyncadd.s32 $0xFFFFC000  }
0xa3: {  	[tilespmem:s14], [sflag:$0x3] =	stream.indirect.gather [hbm4b:s2+s10], $0x80, s31, s10, $0xb8;
	[tilespmem:$0x1DC80] =	vst v63  }
0xa4: {  	_ =	swait.ge [sflag:s30], $0x4000  }
0xa5: {  	[sflag:s30] =	ssyncset.done $0x0  }
0xa6: {  	[sflag:s30] =	ssyncadd.s32 $0xFFFFC000  }
0xa7: {  	[spmem:s3] =	stream.indirect.scatter.add.f32 [tilespmem:s16], [sflag:$0x7], $0x80, s24, s10, $0xb8;
	[tilespmem:$0x1DC80] =	vst v63  }
0xa8: {  	_ =	swait.ge [sflag:s25], $0x4000  }
0xa9: {  	[sflag:s25] =	ssyncset.done $0x0  }
0xaa: {  	s31 =	sadd.s32 $0x780, s29;
	[sflag:s25] =	ssyncadd.s32 $0xFFFFC000  }
0xab: {  	[tilespmem:s16], [sflag:$0x4] =	stream.indirect.gather [hbm4b:s2+s10], $0x80, s31, s10, $0xb8;
	[tilespmem:$0x1DC80] =	vst v63  }
0xac: {  	_ =	swait.ge [sflag:s1], $0x4000  }
0xad: {  	[sflag:s1] =	ssyncset.done $0x0  }
0xae: {  	[sflag:s1] =	ssyncadd.s32 $0xFFFFC000  }
0xaf: {  	[spmem:s3] =	stream.indirect.scatter.add.f32 [tilespmem:s18], [sflag:$0x7], $0x80, s24, s10, $0xb8;
	[tilespmem:$0x1DC80] =	vst v63  }
0xb0: {  	_ =	swait.ge [sflag:s25], $0x4000  }
0xb1: {  	[sflag:s25] =	ssyncset.done $0x0  }
0xb2: {  	s31 =	sadd.s32 $0x800, s29;
	[sflag:s25] =	ssyncadd.s32 $0xFFFFC000  }
0xb3: {  	[tilespmem:s18], [sflag:$0x5] =	stream.indirect.gather [hbm4b:s2+s10], $0x80, s31, s10, $0xb8;
	[tilespmem:$0x1DC80] =	vst v63  }
0xb4: {  	_ =	swait.ge [sflag:s15], $0x4000  }
0xb5: {  	[sflag:s15] =	ssyncset.done $0x0  }
.Ltmp0:
0xb6: {  	[sflag:s15] =	ssyncadd.s32 $0xFFFFC000;
	(pc) =	sbr.rel @p0 .LBB2_2-.Ltmp0, $4  }
0xb7: {  	[spmem:s3] =	stream.indirect.scatter.add.f32 [tilespmem:s20], [sflag:$0x7], $0x80, s24, s10, $0xb8;
	[tilespmem:$0x1DC80] =	vst v63  }
0xb8: {  	_ =	swait.ge [sflag:s25], $0x4000  }
0xb9: {  	[sflag:s25] =	ssyncset.done $0x0  }
0xba: {  	s29 =	sadd.s32 $0x880, s29;
	[sflag:s25] =	ssyncadd.s32 $0xFFFFC000  }
0xbb: {  	[tilespmem:s20], [sflag:$0x6] =	stream.indirect.gather [hbm4b:s2+s10], $0x80, s29, s10, $0xb8;
	[tilespmem:$0x1DC80] =	vst v63  }
0xbc: {  	_ =	swait.ge [sflag:s21], $0x4000  }
0xbd: {  	[sflag:s21] =	ssyncset.done $0x0  }
0xbe: {  	[sflag:s21] =	ssyncadd.s32 $0xFFFFC000  }
0xbf: {  	[spmem:s3] =	stream.indirect.scatter.add.f32 [tilespmem:s11], [sflag:$0x7], $0x80, s24, s10, $0xb8;
	[tilespmem:$0x1DC80] =	vst v63  }
0xc0: {  	_ =	swait.ge [sflag:s25], $0x4000  }
0xc1: {  	[sflag:s25] =	ssyncset.done $0x0  }
0xc2: {  	[sflag:s25] =	ssyncadd.s32 $0xFFFFC000  }
0xc3: {  	[tilespmem:s11], [sflag:$0x1] =	stream.indirect.gather [hbm4b:s2+s10], $0x80, s0, s10, $0xb8;
	[tilespmem:$0x1DC80] =	vst v63  }
0xc4: {  	_ =	swait.ge [sflag:s23], $0x4000  }
0xc5: {  	[sflag:s23] =	ssyncset.done $0x0  }
0xc6: {  	[sflag:s23] =	ssyncadd.s32 $0xFFFFC000  }
0xc7: {  	[spmem:s3] =	stream.indirect.scatter.add.f32 [tilespmem:s12], [sflag:$0x7], $0x80, s24, s10, $0xb8;
	[tilespmem:$0x1DC80] =	vst v63  }
0xc8: {  	_ =	swait.ge [sflag:s25], $0x4000  }
0xc9: {  	[sflag:s25] =	ssyncset.done $0x0  }
0xca: {  	[sflag:s25] =	ssyncadd.s32 $0xFFFFC000  }
0xcb: {  	[tilespmem:s12], [sflag:$0x2] =	stream.indirect.gather [hbm4b:s2+s10], $0x80, s19, s10, $0xb8;
	[tilespmem:$0x1DC80] =	vst v63  }
0xcc: {  	_ =	swait.ge [sflag:s28], $0x4000  }
0xcd: {  	[sflag:s28] =	ssyncset.done $0x0  }
0xce: {  	[sflag:s28] =	ssyncadd.s32 $0xFFFFC000  }
0xcf: {  	[spmem:s3] =	stream.indirect.scatter.add.f32 [tilespmem:s14], [sflag:$0x7], $0x80, s24, s10, $0xb8;
	[tilespmem:$0x1DC80] =	vst v63  }
0xd0: {  	_ =	swait.ge [sflag:s25], $0x4000  }
0xd1: {  	[sflag:s25] =	ssyncset.done $0x0  }
0xd2: {  	[sflag:s25] =	ssyncadd.s32 $0xFFFFC000  }
0xd3: {  	_ =	swait.ge [sflag:s30], $0x4000  }
0xd4: {  	[sflag:s30] =	ssyncset.done $0x0  }
0xd5: {  	[sflag:s30] =	ssyncadd.s32 $0xFFFFC000  }
0xd6: {  	[spmem:s3] =	stream.indirect.scatter.add.f32 [tilespmem:s16], [sflag:$0x7], $0x80, s24, s10, $0xb8;
	[tilespmem:$0x1DC80] =	vst v63  }
0xd7: {  	_ =	swait.ge [sflag:s25], $0x4000  }
0xd8: {  	[sflag:s25] =	ssyncset.done $0x0  }
0xd9: {  	[sflag:s25] =	ssyncadd.s32 $0xFFFFC000  }
0xda: {  	_ =	swait.ge [sflag:s1], $0x4000  }
0xdb: {  	[sflag:s1] =	ssyncset.done $0x0  }
0xdc: {  	[sflag:s1] =	ssyncadd.s32 $0xFFFFC000  }
0xdd: {  	[spmem:s3] =	stream.indirect.scatter.add.f32 [tilespmem:s18], [sflag:$0x7], $0x80, s24, s10, $0xb8;
	[tilespmem:$0x1DC80] =	vst v63  }
0xde: {  	_ =	swait.ge [sflag:s25], $0x4000  }
0xdf: {  	[sflag:s25] =	ssyncset.done $0x0  }
0xe0: {  	[sflag:s25] =	ssyncadd.s32 $0xFFFFC000  }
0xe1: {  	_ =	swait.ge [sflag:s15], $0x4000  }
0xe2: {  	[sflag:s15] =	ssyncset.done $0x0  }
0xe3: {  	[sflag:s15] =	ssyncadd.s32 $0xFFFFC000  }
0xe4: {  	[spmem:s3] =	stream.indirect.scatter.add.f32 [tilespmem:s20], [sflag:$0x7], $0x80, s24, s10, $0xb8;
	[tilespmem:$0x1DC80] =	vst v63  }
0xe5: {  	_ =	swait.ge [sflag:s25], $0x4000  }
0xe6: {  	[sflag:s25] =	ssyncset.done $0x0  }
0xe7: {  	[sflag:s25] =	ssyncadd.s32 $0xFFFFC000  }
0xe8: {  	_ =	swait.ge [sflag:s21], $0x4000  }
0xe9: {  	[sflag:s21] =	ssyncset.done $0x0  }
0xea: {  	[sflag:s21] =	ssyncadd.s32 $0xFFFFC000  }
0xeb: {  	[spmem:s3] =	stream.indirect.scatter.add.f32 [tilespmem:s11], [sflag:$0x7], $0x80, s24, s10, $0xb8;
	[tilespmem:$0x1DC80] =	vst v63  }
0xec: {  	_ =	swait.ge [sflag:s25], $0x4000  }
0xed: {  	[sflag:s25] =	ssyncset.done $0x0  }
0xee: {  	[sflag:s25] =	ssyncadd.s32 $0xFFFFC000  }
0xef: {  	_ =	swait.ge [sflag:s23], $0x4000  }
0xf0: {  	[sflag:s23] =	ssyncset.done $0x0  }
0xf1: {  	s26 =	stileid.u32;
	[sflag:s23] =	ssyncadd.s32 $0xFFFFC000  }
0xf2: {  	[spmem:s3] =	stream.indirect.scatter.add.f32 [tilespmem:s12], [sflag:$0x7], $0x80, s24, s10, $0xb8;
	[tilespmem:$0x1DC80] =	vst v63  }
0xf3: {  	s31 =	sshrl.u32 s6, $0x3;
	s22 =	sadd.s32 $0x1, s22;
	_ =	swait.ge [sflag:s25], $0x4000  }
0xf4: {  	s26 =	sshll.u32 s26, $0x6;
	p0 =	sne.s32 s22, s8;
	[sflag:s25] =	ssyncset.done $0x0  }
.Ltmp1:
0xf5: {  	s26 =	sor.u32 $0x1C08, s26;
	[sflag:s25] =	ssyncadd.s32 $0xFFFFC000;
	(pc) =	sbr.rel @p0 .LBB2_1-.Ltmp1, $4  }
0xf6: {  	[hbm:s7], [sflag:s26] =	dma.local [spmem:s31], $0x800  }
0xf7: {  	_ =	swait.ge [sflag:s9], $0x800  }
0xf8: {  	[sflag:s9] =	ssyncset.done $0x0  }
0xf9: {  	[sflag:s9] =	ssyncadd.s32 $0xFFFFF800  }
0xfa: {  	_ =	sfence.sel $0x180000  }
0xfb: {  	[bflag:$0x0] =	sbarrier.arrive $0xFFFF  }
0xfc: {  	_ =	strace $0x90000047  }
0xfd: {  	s0 =	stileid.u32;
	[bflag:$0x2] =	sbarrier.arrive $0xFFFF  }
0xfe: {  	p0 =	sne.s32 s0, $0x0;
	s0 =	rddreg [dreg:$0x3]  }
0xff: {  	s0 =	sadd.s32 @!p0 $0x100000, s0  }
0x100: {  	[sflag:s0] =	ssyncadd.tile.s32 @!p0 $0x1;
	_ =	shalt  }
.Lfunc_end2:
_tile_overlayer_lowered:
.L_overlay_start_2:
0x101: {  	(tag) =	ssettag $0x2  }
0x102: {  	s0 =	rddreg [dreg:$0x0];
	s2 =	stileid.u32  }
0x103: {  	s1 =	rddreg [dreg:$0x1];
	p0 =	sne.s32 s2, $0x0  }
0x104: {  	s3 =	rddreg [dreg:$0x2];
	[bflag:$0x3] =	sbarrier.arrive $0xFFFF;
	s2 =	simm.s32 @!p0 $0x1C08  }
0x105: {  	[timem:s3], [sflag:s2] =	dma.local @!p0 [hbm:s0], s1  }
0x106: {  	s0 =	simm.s32 @!p0 $0x8  }
0x107: {  	_ =	swait.ge @!p0 [sflag:s0], s1  }
0x108: {  	s1 =	ssub.s32 @!p0 $0x0, s1;
	[sflag:s0] =	ssyncset.done @!p0 $0x0  }
0x109: {  	[sflag:s0] =	ssyncadd.s32 @!p0 s1  }
0x10a: {  	[bflag:$0x3] =	sbarrier.arrive $0xFFFF  }
0x10b: {  	_ =	shalt  }

</sc_bundles>
